<compile_context>
chip_gen: v7x
topology: tpu7x:2x2x1
jax: 0.10.2.dev20260603
libtpu: 0.0.44.dev20260713+nightly
codegen_flags: <defaults>
</compile_context>

<pallas_src>
import functools

import jax
import jax.numpy as jnp
from jax import lax
from jax.experimental import pallas as pl
from jax.experimental.pallas import tpu as pltpu
from jax.experimental.pallas import tpu_sc as plsc

N = 10000
D = 32
C = 15
CP = 16
H = 200
NC = 2
NS = 16
NW = NC * NS
CH = 128
ACC_ROWS = N + 16
NEG = -1.0e30




def _sc_pass_body(with_ones, n_chunks, *refs):
    if with_ones:
        (table, src, dst, zacc, zdeg, ones_hbm, acc_out, deg_out,
         idx_s, idx_d, rows, sem, ones_v, acc_sh, deg_sh) = refs
    else:
        (table, src, dst, zacc, acc_out,
         idx_s, idx_d, rows, sem, acc_sh) = refs
    cid = lax.axis_index("c")
    sid = lax.axis_index("s")
    wid = sid * NC + cid

    @pl.when(sid == 0)
    def _():
        pltpu.sync_copy(zacc, acc_sh)
        if with_ones:
            pltpu.sync_copy(zdeg, deg_sh)

    if with_ones:
        pltpu.sync_copy(ones_hbm, ones_v)
    plsc.subcore_barrier()

    base0 = wid * (n_chunks * CH)

    @pl.loop(0, n_chunks)
    def _(j):
        base = pl.multiple_of(base0 + j * CH, 8)
        pltpu.sync_copy(src.at[pl.ds(base, CH)], idx_s)
        pltpu.sync_copy(dst.at[pl.ds(base, CH)], idx_d)
        pltpu.async_copy(table.at[idx_s], rows, sem).wait()
        pltpu.sync_copy(rows, acc_sh.at[idx_d], add=True)
        if with_ones:
            pltpu.sync_copy(ones_v, deg_sh.at[idx_d], add=True)

    plsc.subcore_barrier()

    @pl.when(sid == 0)
    def _():
        pltpu.sync_copy(acc_sh, acc_out.at[cid])
        if with_ones:
            pltpu.sync_copy(deg_sh, deg_out.at[cid])


@functools.lru_cache(maxsize=None)
def _make_sc_pass(width, n_chunks, with_ones):
    mesh = plsc.VectorSubcoreMesh(core_axis_name="c", subcore_axis_name="s")
    out_type = [jax.ShapeDtypeStruct((NC, ACC_ROWS, width), jnp.float32)]
    scratch = [
        pltpu.VMEM((CH,), jnp.int32),
        pltpu.VMEM((CH,), jnp.int32),
        pltpu.VMEM((CH, width), jnp.float32),
        pltpu.SemaphoreType.DMA,
    ]
    if with_ones:
        out_type.append(jax.ShapeDtypeStruct((NC, ACC_ROWS, CP), jnp.float32))
        scratch.append(pltpu.VMEM((CH, CP), jnp.float32))
    scratch.append(pltpu.VMEM_SHARED((ACC_ROWS, width), jnp.float32))
    if with_ones:
        scratch.append(pltpu.VMEM_SHARED((ACC_ROWS, CP), jnp.float32))
    return pl.kernel(
        functools.partial(_sc_pass_body, with_ones, n_chunks),
        out_type=tuple(out_type) if len(out_type) > 1 else out_type[0],
        mesh=mesh,
        scratch_types=scratch,
        compiler_params=pltpu.CompilerParams(use_tc_tiling_on_sc=False),
    )




def _embed_body(xn_ref, w_ref, b_ref, o_ref):
    o_ref[...] = (
        jnp.dot(xn_ref[...], w_ref[...], preferred_element_type=jnp.float32)
        + b_ref[...]
    )


def _softmax(logits):
    m = jnp.max(logits, axis=-1, keepdims=True)
    e = jnp.exp(logits - m)
    return e / jnp.sum(e, axis=-1, keepdims=True)


def _mid_body(x_ref, aggp_ref, degp_ref, ws_ref, wn_ref, b_ref,
              s1p_ref, x1p_ref):
    x = x_ref[...]
    aggsum = aggp_ref[0, :N, :] + aggp_ref[1, :N, :]
    deg = jnp.maximum(degp_ref[0, :N, 0:1] + degp_ref[1, :N, 0:1], 1.0)
    agg = aggsum / deg
    logits = (
        jnp.dot(x, ws_ref[...], preferred_element_type=jnp.float32)
        + jnp.dot(agg, wn_ref[...], preferred_element_type=jnp.float32)
        + b_ref[...]
    )
    s1p = _softmax(logits)
    s1p_ref[...] = s1p
    x1p_ref[...] = lax.dot_general(
        s1p, x, (((0,), (0,)), ((), ())), preferred_element_type=jnp.float32)


def _final_body(tp_ref, s1p_ref, x1p_ref, ws2_ref, wn2_ref, bs2_ref,
                w1s_ref, w1n_ref, b1_ref, w2s_ref, w2n_ref, b2_ref,
                z2_ref, s2_ref):
    f32 = jnp.float32
    T = tp_ref[0, :N, :] + tp_ref[1, :N, :]
    s1p = s1p_ref[...]
    A1 = lax.dot_general(T, s1p, (((0,), (0,)), ((), ())),
                         preferred_element_type=f32)
    x1 = x1p_ref[...]
    d1 = jnp.maximum(jnp.sum(A1, axis=1, keepdims=True), 1e-6)
    agg1 = jnp.dot(A1, x1, preferred_element_type=f32) / d1
    S2 = _softmax(
        jnp.dot(x1, ws2_ref[...], preferred_element_type=f32)
        + jnp.dot(agg1, wn2_ref[...], preferred_element_type=f32)
        + bs2_ref[...])
    x2 = lax.dot_general(S2, x1, (((0,), (0,)), ((), ())),
                         preferred_element_type=f32)
    A2 = lax.dot_general(S2, jnp.dot(A1, S2, preferred_element_type=f32),
                         (((0,), (0,)), ((), ())), preferred_element_type=f32)
    d2 = jnp.maximum(jnp.sum(A2, axis=1, keepdims=True), 1e-6)
    agg2 = jnp.dot(A2, x2, preferred_element_type=f32) / d2
    h = jnp.maximum(
        jnp.dot(x2, w1s_ref[...], preferred_element_type=f32)
        + jnp.dot(agg2, w1n_ref[...], preferred_element_type=f32)
        + b1_ref[...], 0.0)
    aggh = jnp.dot(A2, h, preferred_element_type=f32) / d2
    z2_ref[...] = (
        jnp.dot(h, w2s_ref[...], preferred_element_type=f32)
        + jnp.dot(aggh, w2n_ref[...], preferred_element_type=f32)
        + b2_ref[...])
    s2_ref[...] = S2




def _pad_w(w):
    return jnp.concatenate([w, jnp.zeros((w.shape[0], CP - C), jnp.float32)], axis=1)


def _pad_b(b):
    return jnp.concatenate([b, jnp.full((CP - C,), NEG, jnp.float32)]).reshape(1, CP)


def kernel(x_note, edge_index, batch, W_embed, b_embed, Ws1, Wn1, bS1,
           Ws2, Wn2, bS2, W1s, W1n, b1, W2s, W2n, b2):
    E = edge_index.shape[1]
    quant = NW * CH
    E_pad = ((E + quant - 1) // quant) * quant
    n_chunks = E_pad // (NW * CH)
    pad = E_pad - E
    src = jnp.concatenate([edge_index[0], jnp.zeros((pad,), jnp.int32)])
    dst = jnp.concatenate([edge_index[1], jnp.full((pad,), N, jnp.int32)])

    x = pl.pallas_call(
        _embed_body,
        out_shape=jax.ShapeDtypeStruct((N, D), jnp.float32),
    )(x_note, W_embed, b_embed.reshape(1, D))

    zacc = jnp.zeros((ACC_ROWS, D), jnp.float32)
    zdeg = jnp.zeros((ACC_ROWS, CP), jnp.float32)
    ones = jnp.ones((CH, CP), jnp.float32)
    aggp, degp = _make_sc_pass(D, n_chunks, True)(
        x, src, dst, zacc, zdeg, ones)

    s1p, x1p = pl.pallas_call(
        _mid_body,
        out_shape=(
            jax.ShapeDtypeStruct((N, CP), jnp.float32),
            jax.ShapeDtypeStruct((CP, D), jnp.float32),
        ),
    )(x, aggp, degp, _pad_w(Ws1), _pad_w(Wn1), _pad_b(bS1))

    zacc2 = jnp.zeros((ACC_ROWS, CP), jnp.float32)
    tp = _make_sc_pass(CP, n_chunks, False)(s1p, src, dst, zacc2)

    z2p, s2p = pl.pallas_call(
        _final_body,
        out_shape=(
            jax.ShapeDtypeStruct((CP, H), jnp.float32),
            jax.ShapeDtypeStruct((CP, CP), jnp.float32),
        ),
    )(tp, s1p, x1p, _pad_w(Ws2), _pad_w(Wn2), _pad_b(bS2),
      W1s, W1n, b1.reshape(1, H), W2s, W2n, b2.reshape(1, H))

    return (z2p[:C], s1p[:, :C], s2p[:C, :C])

# --- scband reference (transcript-rebuilt; emitter-appended) ---
"""Pipeline reference for scband-group-mat-42425686950038 (READ-ONLY COPY).

The authoritative reference and input builder live on the scoring server;
editing this copy changes nothing except your own understanding.
"""

import jax, jax.numpy as jnp
import numpy as np

N = 10000
E = 640000
F_IN = 111
D = 32
H = 200
C = 15

def _glorot(key, shape):
    fan_in = shape[0]
    return jax.random.normal(key, shape, dtype=jnp.float32) / jnp.sqrt(float(fan_in))

def setup_inputs(seed: int = 0):
    key = jax.random.key(seed)
    ks = jax.random.split(key, 20)
    inp = {}
    inp["x_note"] = jax.random.normal(ks[0], (N, F_IN), dtype=jnp.float32)
    inp["edge_index"] = jax.random.randint(ks[1], (2, E), 0, N, dtype=jnp.int32)
    inp["batch"] = jnp.zeros((N,), dtype=jnp.int32)
    inp["W_embed"] = _glorot(ks[2], (F_IN, D))
    inp["b_embed"] = jnp.zeros((D,), dtype=jnp.float32)
    inp["Ws1"] = _glorot(ks[3], (D, C))
    inp["Wn1"] = _glorot(ks[4], (D, C))
    inp["bS1"] = jnp.zeros((C,), dtype=jnp.float32)
    inp["Ws2"] = _glorot(ks[5], (D, C))
    inp["Wn2"] = _glorot(ks[6], (D, C))
    inp["bS2"] = jnp.zeros((C,), dtype=jnp.float32)
    inp["W1s"] = _glorot(ks[7], (D, H))
    inp["W1n"] = _glorot(ks[8], (D, H))
    inp["b1"] = jnp.zeros((H,), dtype=jnp.float32)
    inp["W2s"] = _glorot(ks[9], (H, H))
    inp["W2n"] = _glorot(ks[10], (H, H))
    inp["b2"] = jnp.zeros((H,), dtype=jnp.float32)
    return inp

def _dense_mean_agg(A, h):
    d = jnp.clip(jnp.sum(A, axis=1, keepdims=True), 1e-6, None)
    return (A @ h) / d

def _forward(x_note, W_embed, b_embed, Ws1, Wn1, bS1, Ws2, Wn2, bS2, W1s, W1n, b1, W2s, W2n, b2, edge_index):
    # embed
    x = x_note @ W_embed + b_embed
    src = edge_index[0]
    dst = edge_index[1]
    n = x.shape[0]
    # GNN_Cluster 1: SAGE-style mean aggregation -> assignment S1 (DiffPool-style)
    deg = jax.ops.segment_sum(jnp.ones((src.shape[0],), dtype=x.dtype), dst, num_segments=n)
    deg = jnp.clip(deg, 1.0, None)[:, None]
    agg = jax.ops.segment_sum(jnp.take(x, src, axis=0), dst, num_segments=n) / deg
    S1 = jax.nn.softmax(x @ Ws1 + agg @ Wn1 + bS1, axis=-1)
    x1 = S1.T @ x
    # pooled adjacency A1 = S^T A S computed edge-wise
    A1 = jnp.take(S1, src, axis=0).T @ jnp.take(S1, dst, axis=0)
    # GNN_Cluster 2 on coarse (dense) graph
    agg1 = _dense_mean_agg(A1, x1)
    S2 = jax.nn.softmax(x1 @ Ws2 + agg1 @ Wn2 + bS2, axis=-1)
    x2 = S2.T @ x1
    A2 = S2.T @ A1 @ S2
    # HeteroGNN (2-layer SAGE) embedding on final coarse graph
    agg2 = _dense_mean_agg(A2, x2)
    h = jax.nn.relu(x2 @ W1s + agg2 @ W1n + b1)
    aggh = _dense_mean_agg(A2, h)
    z2 = h @ W2s + aggh @ W2n + b2
    return (z2.astype(jnp.float32), S1, S2)

def reference(x_note, edge_index, batch, W_embed, b_embed, Ws1, Wn1, bS1, Ws2, Wn2, bS2, W1s, W1n, b1, W2s, W2n, b2):
    return _forward(x_note, W_embed, b_embed, Ws1, Wn1, bS1, Ws2, Wn2, bS2, W1s, W1n, b1, W2s, W2n, b2, edge_index)

if __name__ == "__main__":
    import jax
    _d = setup_inputs()
    print(jax.jit(kernel)(*tuple(_d.values())))

</pallas_src>

<mosaic_0001>
#map = affine_map<(d0, d1) -> (0, 0)>
#map1 = affine_map<(d0, d1) -> (0)>
#map2 = affine_map<(d0, d1) -> (0, 0, 0)>
module attributes {stable_mosaic.version = 14 : i64} {
  func.func @_sc_pass_body(%arg0: i32, %arg1: i32, %arg2: memref<10000x32xf32, #tpu.memory_space<hbm>>, %arg3: memref<643072xi32, #tpu.memory_space<hbm>>, %arg4: memref<643072xi32, #tpu.memory_space<hbm>>, %arg5: memref<10016x32xf32, #tpu.memory_space<hbm>>, %arg6: memref<10016x16xf32, #tpu.memory_space<hbm>>, %arg7: memref<128x16xf32, #tpu.memory_space<hbm>>, %arg8: memref<2x10016x32xf32, #tpu.memory_space<hbm>>, %arg9: memref<2x10016x16xf32, #tpu.memory_space<hbm>>, %arg10: memref<128xi32, #tpu.memory_space<vmem>>, %arg11: memref<128xi32, #tpu.memory_space<vmem>>, %arg12: memref<128x32xf32, #tpu.memory_space<vmem>>, %arg13: memref<!tpu.dma_semaphore, #tpu.memory_space<semaphore_mem>>, %arg14: memref<128x16xf32, #tpu.memory_space<vmem>>, %arg15: memref<10016x32xf32, #tpu.memory_space<vmem_shared>>, %arg16: memref<10016x16xf32, #tpu.memory_space<vmem_shared>>) attributes {dimension_semantics = [#tpu.dimension_semantics<core_parallel>, #tpu.dimension_semantics<subcore_parallel>], iteration_bounds = array<i64: 2, 16>, scalar_prefetch = 0 : i64, scratch_operands = 7 : i64, tpu.core_type = #tpu.core_type<sc_vector_subcore>, window_params = [{transform_indices = #map}, {transform_indices = #map1}, {transform_indices = #map1}, {transform_indices = #map}, {transform_indices = #map}, {transform_indices = #map}, {transform_indices = #map2}, {transform_indices = #map2}]} {
    %mul3A = arith.constant 2 : i32
    %mul3A_0 = arith.muli %arg1, %mul3A : i32
    %add3A = arith.addi %mul3A_0, %arg0 : i32
    %eq3A = arith.constant 0 : i32
    %eq3A_1 = arith.cmpi eq, %arg1, %eq3A : i32
    %convert_element_type3A = arith.extui %eq3A_1 : i1 to i32
    %cond3A = arith.constant 0 : i32
    %cond3A_2 = arith.cmpi ne, %convert_element_type3A, %cond3A : i32
    scf.if %cond3A_2 {
      "tpu.region"() ({
        %run_scoped3A = tpu.sem_alloc : memref<!tpu.dma_semaphore, #tpu.memory_space<semaphore_mem>>
        tpu.enqueue_dma source(%arg5 : memref<10016x32xf32, #tpu.memory_space<hbm>>) target(%arg15 : memref<10016x32xf32, #tpu.memory_space<vmem_shared>>) target_semaphore(%run_scoped3A : memref<!tpu.dma_semaphore, #tpu.memory_space<semaphore_mem>>)
        tpu.wait_dma2 semaphore(%run_scoped3A : memref<!tpu.dma_semaphore, #tpu.memory_space<semaphore_mem>>) src(%arg5 : memref<10016x32xf32, #tpu.memory_space<hbm>>) dst(%arg15 : memref<10016x32xf32, #tpu.memory_space<vmem_shared>>)
        tpu.yield
      }) : () -> ()
      "tpu.region"() ({
        %run_scoped3A = tpu.sem_alloc : memref<!tpu.dma_semaphore, #tpu.memory_space<semaphore_mem>>
        tpu.enqueue_dma source(%arg6 : memref<10016x16xf32, #tpu.memory_space<hbm>>) target(%arg16 : memref<10016x16xf32, #tpu.memory_space<vmem_shared>>) target_semaphore(%run_scoped3A : memref<!tpu.dma_semaphore, #tpu.memory_space<semaphore_mem>>)
        tpu.wait_dma2 semaphore(%run_scoped3A : memref<!tpu.dma_semaphore, #tpu.memory_space<semaphore_mem>>) src(%arg6 : memref<10016x16xf32, #tpu.memory_space<hbm>>) dst(%arg16 : memref<10016x16xf32, #tpu.memory_space<vmem_shared>>)
        tpu.yield
      }) : () -> ()
    } else {
    }
    "tpu.region"() ({
      %run_scoped3A = tpu.sem_alloc : memref<!tpu.dma_semaphore, #tpu.memory_space<semaphore_mem>>
      tpu.enqueue_dma source(%arg7 : memref<128x16xf32, #tpu.memory_space<hbm>>) target(%arg14 : memref<128x16xf32, #tpu.memory_space<vmem>>) target_semaphore(%run_scoped3A : memref<!tpu.dma_semaphore, #tpu.memory_space<semaphore_mem>>)
      tpu.wait_dma2 semaphore(%run_scoped3A : memref<!tpu.dma_semaphore, #tpu.memory_space<semaphore_mem>>) src(%arg7 : memref<128x16xf32, #tpu.memory_space<hbm>>) dst(%arg14 : memref<128x16xf32, #tpu.memory_space<vmem>>)
      tpu.yield
    }) : () -> ()
    %barrier3A = arith.constant 0 : index
    tpu.barrier barrier_id(%barrier3A)
    %mul3A_3 = arith.constant 20096 : i32
    %mul3A_4 = arith.muli %add3A, %mul3A_3 : i32
    %scan3A = arith.constant 0 : i32
    %scan3A_5 = arith.constant 157 : i32
    %scan3A_6 = arith.addi %scan3A, %scan3A_5 : i32
    %scan3A_7 = arith.constant 1 : i32
    scf.for %scan3A_15 = %scan3A to %scan3A_6 step %scan3A_7  : i32 {
      %mul3A_16 = arith.constant 1 : i32
      %mul3A_17 = arith.muli %scan3A_15, %mul3A_16 : i32
      %add3A_18 = arith.constant 0 : i32
      %add3A_19 = arith.addi %add3A_18, %mul3A_17 : i32
      %mul3A_20 = arith.constant 128 : i32
      %mul3A_21 = arith.muli %add3A_19, %mul3A_20 : i32
      %add3A_22 = arith.addi %mul3A_4, %mul3A_21 : i32
      %multiple_of3A = tpu.assume_multiple %add3A_22, 8 : i32
      "tpu.region"() ({
        %run_scoped3A = tpu.sem_alloc : memref<!tpu.dma_semaphore, #tpu.memory_space<semaphore_mem>>
        %dma_start3A_27 = tpu.memref_slice %arg3[%multiple_of3A] : memref<643072xi32, #tpu.memory_space<hbm>> -> memref<128xi32, #tpu.memory_space<hbm>>
        %dma_start3A_28 = tpu.memref_slice %arg3[%multiple_of3A] : memref<643072xi32, #tpu.memory_space<hbm>> -> memref<128xi32, #tpu.memory_space<hbm>>
        tpu.enqueue_dma source(%dma_start3A_28 : memref<128xi32, #tpu.memory_space<hbm>>) target(%arg10 : memref<128xi32, #tpu.memory_space<vmem>>) target_semaphore(%run_scoped3A : memref<!tpu.dma_semaphore, #tpu.memory_space<semaphore_mem>>)
        %dma_wait3A_29 = tpu.memref_slice %arg3[%multiple_of3A] : memref<643072xi32, #tpu.memory_space<hbm>> -> memref<128xi32, #tpu.memory_space<hbm>>
        %dma_wait3A_30 = tpu.memref_slice %arg3[%multiple_of3A] : memref<643072xi32, #tpu.memory_space<hbm>> -> memref<128xi32, #tpu.memory_space<hbm>>
        tpu.wait_dma2 semaphore(%run_scoped3A : memref<!tpu.dma_semaphore, #tpu.memory_space<semaphore_mem>>) src(%dma_wait3A_30 : memref<128xi32, #tpu.memory_space<hbm>>) dst(%arg10 : memref<128xi32, #tpu.memory_space<vmem>>)
        tpu.yield
      }) : () -> ()
      "tpu.region"() ({
        %run_scoped3A = tpu.sem_alloc : memref<!tpu.dma_semaphore, #tpu.memory_space<semaphore_mem>>
        %dma_start3A_27 = tpu.memref_slice %arg4[%multiple_of3A] : memref<643072xi32, #tpu.memory_space<hbm>> -> memref<128xi32, #tpu.memory_space<hbm>>
        %dma_start3A_28 = tpu.memref_slice %arg4[%multiple_of3A] : memref<643072xi32, #tpu.memory_space<hbm>> -> memref<128xi32, #tpu.memory_space<hbm>>
        tpu.enqueue_dma source(%dma_start3A_28 : memref<128xi32, #tpu.memory_space<hbm>>) target(%arg11 : memref<128xi32, #tpu.memory_space<vmem>>) target_semaphore(%run_scoped3A : memref<!tpu.dma_semaphore, #tpu.memory_space<semaphore_mem>>)
        %dma_wait3A_29 = tpu.memref_slice %arg4[%multiple_of3A] : memref<643072xi32, #tpu.memory_space<hbm>> -> memref<128xi32, #tpu.memory_space<hbm>>
        %dma_wait3A_30 = tpu.memref_slice %arg4[%multiple_of3A] : memref<643072xi32, #tpu.memory_space<hbm>> -> memref<128xi32, #tpu.memory_space<hbm>>
        tpu.wait_dma2 semaphore(%run_scoped3A : memref<!tpu.dma_semaphore, #tpu.memory_space<semaphore_mem>>) src(%dma_wait3A_30 : memref<128xi32, #tpu.memory_space<hbm>>) dst(%arg11 : memref<128xi32, #tpu.memory_space<vmem>>)
        tpu.yield
      }) : () -> ()
      %dma_start3A = arith.constant 0 : i32
      %dma_start3A_23 = arith.constant 0 : i32
      %dma_start3A_24 = tpu.memref_slice %arg2[%dma_start3A, %dma_start3A_23] : memref<10000x32xf32, #tpu.memory_space<hbm>> -> memref<10000x32xf32, #tpu.memory_space<hbm>>
      tpu.enqueue_indirect_dma source(%dma_start3A_24 : memref<10000x32xf32, #tpu.memory_space<hbm>>) target(%arg12 : memref<128x32xf32, #tpu.memory_space<vmem>>) offsets(%arg10 : memref<128xi32, #tpu.memory_space<vmem>>) semaphore(%arg13 : memref<!tpu.dma_semaphore, #tpu.memory_space<semaphore_mem>>)
      %dma_wait3A = arith.constant 0 : i32
      %dma_wait3A_25 = arith.constant 0 : i32
      %dma_wait3A_26 = tpu.memref_slice %arg2[%dma_wait3A, %dma_wait3A_25] : memref<10000x32xf32, #tpu.memory_space<hbm>> -> memref<10000x32xf32, #tpu.memory_space<hbm>>
      tpu.wait_indirect_dma semaphore(%arg13 : memref<!tpu.dma_semaphore, #tpu.memory_space<semaphore_mem>>) src(%dma_wait3A_26 : memref<10000x32xf32, #tpu.memory_space<hbm>>) dst(%arg12 : memref<128x32xf32, #tpu.memory_space<vmem>>)
      "tpu.region"() ({
        %run_scoped3A = tpu.sem_alloc : memref<!tpu.dma_semaphore, #tpu.memory_space<semaphore_mem>>
        %dma_start3A_27 = arith.constant 0 : i32
        %dma_start3A_28 = arith.constant 0 : i32
        %dma_start3A_29 = tpu.memref_slice %arg15[%dma_start3A_27, %dma_start3A_28] : memref<10016x32xf32, #tpu.memory_space<vmem_shared>> -> memref<10016x32xf32, #tpu.memory_space<vmem_shared>>
        tpu.enqueue_indirect_dma source(%arg12 : memref<128x32xf32, #tpu.memory_space<vmem>>) target(%dma_start3A_29 : memref<10016x32xf32, #tpu.memory_space<vmem_shared>>) offsets(%arg11 : memref<128xi32, #tpu.memory_space<vmem>>) semaphore(%run_scoped3A : memref<!tpu.dma_semaphore, #tpu.memory_space<semaphore_mem>>) {add = true}
        %dma_wait3A_30 = arith.constant 0 : i32
        %dma_wait3A_31 = arith.constant 0 : i32
        %dma_wait3A_32 = tpu.memref_slice %arg15[%dma_wait3A_30, %dma_wait3A_31] : memref<10016x32xf32, #tpu.memory_space<vmem_shared>> -> memref<10016x32xf32, #tpu.memory_space<vmem_shared>>
        tpu.wait_indirect_dma semaphore(%run_scoped3A : memref<!tpu.dma_semaphore, #tpu.memory_space<semaphore_mem>>) src(%arg12 : memref<128x32xf32, #tpu.memory_space<vmem>>) dst(%dma_wait3A_32 : memref<10016x32xf32, #tpu.memory_space<vmem_shared>>)
        tpu.yield
      }) : () -> ()
      "tpu.region"() ({
        %run_scoped3A = tpu.sem_alloc : memref<!tpu.dma_semaphore, #tpu.memory_space<semaphore_mem>>
        %dma_start3A_27 = arith.constant 0 : i32
        %dma_start3A_28 = arith.constant 0 : i32
        %dma_start3A_29 = tpu.memref_slice %arg16[%dma_start3A_27, %dma_start3A_28] : memref<10016x16xf32, #tpu.memory_space<vmem_shared>> -> memref<10016x16xf32, #tpu.memory_space<vmem_shared>>
        tpu.enqueue_indirect_dma source(%arg14 : memref<128x16xf32, #tpu.memory_space<vmem>>) target(%dma_start3A_29 : memref<10016x16xf32, #tpu.memory_space<vmem_shared>>) offsets(%arg11 : memref<128xi32, #tpu.memory_space<vmem>>) semaphore(%run_scoped3A : memref<!tpu.dma_semaphore, #tpu.memory_space<semaphore_mem>>) {add = true}
        %dma_wait3A_30 = arith.constant 0 : i32
        %dma_wait3A_31 = arith.constant 0 : i32
        %dma_wait3A_32 = tpu.memref_slice %arg16[%dma_wait3A_30, %dma_wait3A_31] : memref<10016x16xf32, #tpu.memory_space<vmem_shared>> -> memref<10016x16xf32, #tpu.memory_space<vmem_shared>>
        tpu.wait_indirect_dma semaphore(%run_scoped3A : memref<!tpu.dma_semaphore, #tpu.memory_space<semaphore_mem>>) src(%arg14 : memref<128x16xf32, #tpu.memory_space<vmem>>) dst(%dma_wait3A_32 : memref<10016x16xf32, #tpu.memory_space<vmem_shared>>)
        tpu.yield
      }) : () -> ()
    }
    %scan3A_8 = arith.constant 157 : i32
    %barrier3A_9 = arith.constant 0 : index
    tpu.barrier barrier_id(%barrier3A_9)
    %eq3A_10 = arith.constant 0 : i32
    %eq3A_11 = arith.cmpi eq, %arg1, %eq3A_10 : i32
    %convert_element_type3A_12 = arith.extui %eq3A_11 : i1 to i32
    %cond3A_13 = arith.constant 0 : i32
    %cond3A_14 = arith.cmpi ne, %convert_element_type3A_12, %cond3A_13 : i32
    scf.if %cond3A_14 {
      "tpu.region"() ({
        %run_scoped3A = tpu.sem_alloc : memref<!tpu.dma_semaphore, #tpu.memory_space<semaphore_mem>>
        %dma_start3A = arith.constant 0 : i32
        %dma_start3A_15 = arith.constant 0 : i32
        %dma_start3A_16 = tpu.memref_slice %arg8[%arg0, %dma_start3A, %dma_start3A_15] : memref<2x10016x32xf32, #tpu.memory_space<hbm>> -> memref<1x10016x32xf32, #tpu.memory_space<hbm>>
        %dma_start3A_17 = tpu.memref_squeeze %dma_start3A_16 : memref<1x10016x32xf32, #tpu.memory_space<hbm>> -> memref<10016x32xf32, #tpu.memory_space<hbm>>
        tpu.enqueue_dma source(%arg15 : memref<10016x32xf32, #tpu.memory_space<vmem_shared>>) target(%dma_start3A_17 : memref<10016x32xf32, #tpu.memory_space<hbm>>) target_semaphore(%run_scoped3A : memref<!tpu.dma_semaphore, #tpu.memory_space<semaphore_mem>>)
        %dma_wait3A = arith.constant 0 : i32
        %dma_wait3A_18 = arith.constant 0 : i32
        %dma_wait3A_19 = tpu.memref_slice %arg8[%arg0, %dma_wait3A, %dma_wait3A_18] : memref<2x10016x32xf32, #tpu.memory_space<hbm>> -> memref<1x10016x32xf32, #tpu.memory_space<hbm>>
        %dma_wait3A_20 = tpu.memref_squeeze %dma_wait3A_19 : memref<1x10016x32xf32, #tpu.memory_space<hbm>> -> memref<10016x32xf32, #tpu.memory_space<hbm>>
        tpu.wait_dma2 semaphore(%run_scoped3A : memref<!tpu.dma_semaphore, #tpu.memory_space<semaphore_mem>>) src(%arg15 : memref<10016x32xf32, #tpu.memory_space<vmem_shared>>) dst(%dma_wait3A_20 : memref<10016x32xf32, #tpu.memory_space<hbm>>)
        tpu.yield
      }) : () -> ()
      "tpu.region"() ({
        %run_scoped3A = tpu.sem_alloc : memref<!tpu.dma_semaphore, #tpu.memory_space<semaphore_mem>>
        %dma_start3A = arith.constant 0 : i32
        %dma_start3A_15 = arith.constant 0 : i32
        %dma_start3A_16 = tpu.memref_slice %arg9[%arg0, %dma_start3A, %dma_start3A_15] : memref<2x10016x16xf32, #tpu.memory_space<hbm>> -> memref<1x10016x16xf32, #tpu.memory_space<hbm>>
        %dma_start3A_17 = tpu.memref_squeeze %dma_start3A_16 : memref<1x10016x16xf32, #tpu.memory_space<hbm>> -> memref<10016x16xf32, #tpu.memory_space<hbm>>
        tpu.enqueue_dma source(%arg16 : memref<10016x16xf32, #tpu.memory_space<vmem_shared>>) target(%dma_start3A_17 : memref<10016x16xf32, #tpu.memory_space<hbm>>) target_semaphore(%run_scoped3A : memref<!tpu.dma_semaphore, #tpu.memory_space<semaphore_mem>>)
        %dma_wait3A = arith.constant 0 : i32
        %dma_wait3A_18 = arith.constant 0 : i32
        %dma_wait3A_19 = tpu.memref_slice %arg9[%arg0, %dma_wait3A, %dma_wait3A_18] : memref<2x10016x16xf32, #tpu.memory_space<hbm>> -> memref<1x10016x16xf32, #tpu.memory_space<hbm>>
        %dma_wait3A_20 = tpu.memref_squeeze %dma_wait3A_19 : memref<1x10016x16xf32, #tpu.memory_space<hbm>> -> memref<10016x16xf32, #tpu.memory_space<hbm>>
        tpu.wait_dma2 semaphore(%run_scoped3A : memref<!tpu.dma_semaphore, #tpu.memory_space<semaphore_mem>>) src(%arg16 : memref<10016x16xf32, #tpu.memory_space<vmem_shared>>) dst(%dma_wait3A_20 : memref<10016x16xf32, #tpu.memory_space<hbm>>)
        tpu.yield
      }) : () -> ()
    } else {
    }
    return
  }
}

#map = affine_map<(d0, d1) -> (0, 0)>
#map1 = affine_map<(d0, d1) -> (0)>
#map2 = affine_map<(d0, d1) -> (0, 0, 0)>
module attributes {stable_mosaic.version = 14 : i64} {
  func.func @_sc_pass_body(%arg0: i32, %arg1: i32, %arg2: memref<10000x16xf32, #tpu.memory_space<hbm>>, %arg3: memref<643072xi32, #tpu.memory_space<hbm>>, %arg4: memref<643072xi32, #tpu.memory_space<hbm>>, %arg5: memref<10016x16xf32, #tpu.memory_space<hbm>>, %arg6: memref<2x10016x16xf32, #tpu.memory_space<hbm>>, %arg7: memref<128xi32, #tpu.memory_space<vmem>>, %arg8: memref<128xi32, #tpu.memory_space<vmem>>, %arg9: memref<128x16xf32, #tpu.memory_space<vmem>>, %arg10: memref<!tpu.dma_semaphore, #tpu.memory_space<semaphore_mem>>, %arg11: memref<10016x16xf32, #tpu.memory_space<vmem_shared>>) attributes {dimension_semantics = [#tpu.dimension_semantics<core_parallel>, #tpu.dimension_semantics<subcore_parallel>], iteration_bounds = array<i64: 2, 16>, scalar_prefetch = 0 : i64, scratch_operands = 5 : i64, tpu.core_type = #tpu.core_type<sc_vector_subcore>, window_params = [{transform_indices = #map}, {transform_indices = #map1}, {transform_indices = #map1}, {transform_indices = #map}, {transform_indices = #map2}]} {
    %mul3A = arith.constant 2 : i32
    %mul3A_0 = arith.muli %arg1, %mul3A : i32
    %add3A = arith.addi %mul3A_0, %arg0 : i32
    %eq3A = arith.constant 0 : i32
    %eq3A_1 = arith.cmpi eq, %arg1, %eq3A : i32
    %convert_element_type3A = arith.extui %eq3A_1 : i1 to i32
    %cond3A = arith.constant 0 : i32
    %cond3A_2 = arith.cmpi ne, %convert_element_type3A, %cond3A : i32
    scf.if %cond3A_2 {
      "tpu.region"() ({
        %run_scoped3A = tpu.sem_alloc : memref<!tpu.dma_semaphore, #tpu.memory_space<semaphore_mem>>
        tpu.enqueue_dma source(%arg5 : memref<10016x16xf32, #tpu.memory_space<hbm>>) target(%arg11 : memref<10016x16xf32, #tpu.memory_space<vmem_shared>>) target_semaphore(%run_scoped3A : memref<!tpu.dma_semaphore, #tpu.memory_space<semaphore_mem>>)
        tpu.wait_dma2 semaphore(%run_scoped3A : memref<!tpu.dma_semaphore, #tpu.memory_space<semaphore_mem>>) src(%arg5 : memref<10016x16xf32, #tpu.memory_space<hbm>>) dst(%arg11 : memref<10016x16xf32, #tpu.memory_space<vmem_shared>>)
        tpu.yield
      }) : () -> ()
    } else {
    }
    %barrier3A = arith.constant 0 : index
    tpu.barrier barrier_id(%barrier3A)
    %mul3A_3 = arith.constant 20096 : i32
    %mul3A_4 = arith.muli %add3A, %mul3A_3 : i32
    %scan3A = arith.constant 0 : i32
    %scan3A_5 = arith.constant 157 : i32
    %scan3A_6 = arith.addi %scan3A, %scan3A_5 : i32
    %scan3A_7 = arith.constant 1 : i32
    scf.for %scan3A_15 = %scan3A to %scan3A_6 step %scan3A_7  : i32 {
      %mul3A_16 = arith.constant 1 : i32
      %mul3A_17 = arith.muli %scan3A_15, %mul3A_16 : i32
      %add3A_18 = arith.constant 0 : i32
      %add3A_19 = arith.addi %add3A_18, %mul3A_17 : i32
      %mul3A_20 = arith.constant 128 : i32
      %mul3A_21 = arith.muli %add3A_19, %mul3A_20 : i32
      %add3A_22 = arith.addi %mul3A_4, %mul3A_21 : i32
      %multiple_of3A = tpu.assume_multiple %add3A_22, 8 : i32
      "tpu.region"() ({
        %run_scoped3A = tpu.sem_alloc : memref<!tpu.dma_semaphore, #tpu.memory_space<semaphore_mem>>
        %dma_start3A_27 = tpu.memref_slice %arg3[%multiple_of3A] : memref<643072xi32, #tpu.memory_space<hbm>> -> memref<128xi32, #tpu.memory_space<hbm>>
        %dma_start3A_28 = tpu.memref_slice %arg3[%multiple_of3A] : memref<643072xi32, #tpu.memory_space<hbm>> -> memref<128xi32, #tpu.memory_space<hbm>>
        tpu.enqueue_dma source(%dma_start3A_28 : memref<128xi32, #tpu.memory_space<hbm>>) target(%arg7 : memref<128xi32, #tpu.memory_space<vmem>>) target_semaphore(%run_scoped3A : memref<!tpu.dma_semaphore, #tpu.memory_space<semaphore_mem>>)
        %dma_wait3A_29 = tpu.memref_slice %arg3[%multiple_of3A] : memref<643072xi32, #tpu.memory_space<hbm>> -> memref<128xi32, #tpu.memory_space<hbm>>
        %dma_wait3A_30 = tpu.memref_slice %arg3[%multiple_of3A] : memref<643072xi32, #tpu.memory_space<hbm>> -> memref<128xi32, #tpu.memory_space<hbm>>
        tpu.wait_dma2 semaphore(%run_scoped3A : memref<!tpu.dma_semaphore, #tpu.memory_space<semaphore_mem>>) src(%dma_wait3A_30 : memref<128xi32, #tpu.memory_space<hbm>>) dst(%arg7 : memref<128xi32, #tpu.memory_space<vmem>>)
        tpu.yield
      }) : () -> ()
      "tpu.region"() ({
        %run_scoped3A = tpu.sem_alloc : memref<!tpu.dma_semaphore, #tpu.memory_space<semaphore_mem>>
        %dma_start3A_27 = tpu.memref_slice %arg4[%multiple_of3A] : memref<643072xi32, #tpu.memory_space<hbm>> -> memref<128xi32, #tpu.memory_space<hbm>>
        %dma_start3A_28 = tpu.memref_slice %arg4[%multiple_of3A] : memref<643072xi32, #tpu.memory_space<hbm>> -> memref<128xi32, #tpu.memory_space<hbm>>
        tpu.enqueue_dma source(%dma_start3A_28 : memref<128xi32, #tpu.memory_space<hbm>>) target(%arg8 : memref<128xi32, #tpu.memory_space<vmem>>) target_semaphore(%run_scoped3A : memref<!tpu.dma_semaphore, #tpu.memory_space<semaphore_mem>>)
        %dma_wait3A_29 = tpu.memref_slice %arg4[%multiple_of3A] : memref<643072xi32, #tpu.memory_space<hbm>> -> memref<128xi32, #tpu.memory_space<hbm>>
        %dma_wait3A_30 = tpu.memref_slice %arg4[%multiple_of3A] : memref<643072xi32, #tpu.memory_space<hbm>> -> memref<128xi32, #tpu.memory_space<hbm>>
        tpu.wait_dma2 semaphore(%run_scoped3A : memref<!tpu.dma_semaphore, #tpu.memory_space<semaphore_mem>>) src(%dma_wait3A_30 : memref<128xi32, #tpu.memory_space<hbm>>) dst(%arg8 : memref<128xi32, #tpu.memory_space<vmem>>)
        tpu.yield
      }) : () -> ()
      %dma_start3A = arith.constant 0 : i32
      %dma_start3A_23 = arith.constant 0 : i32
      %dma_start3A_24 = tpu.memref_slice %arg2[%dma_start3A, %dma_start3A_23] : memref<10000x16xf32, #tpu.memory_space<hbm>> -> memref<10000x16xf32, #tpu.memory_space<hbm>>
      tpu.enqueue_indirect_dma source(%dma_start3A_24 : memref<10000x16xf32, #tpu.memory_space<hbm>>) target(%arg9 : memref<128x16xf32, #tpu.memory_space<vmem>>) offsets(%arg7 : memref<128xi32, #tpu.memory_space<vmem>>) semaphore(%arg10 : memref<!tpu.dma_semaphore, #tpu.memory_space<semaphore_mem>>)
      %dma_wait3A = arith.constant 0 : i32
      %dma_wait3A_25 = arith.constant 0 : i32
      %dma_wait3A_26 = tpu.memref_slice %arg2[%dma_wait3A, %dma_wait3A_25] : memref<10000x16xf32, #tpu.memory_space<hbm>> -> memref<10000x16xf32, #tpu.memory_space<hbm>>
      tpu.wait_indirect_dma semaphore(%arg10 : memref<!tpu.dma_semaphore, #tpu.memory_space<semaphore_mem>>) src(%dma_wait3A_26 : memref<10000x16xf32, #tpu.memory_space<hbm>>) dst(%arg9 : memref<128x16xf32, #tpu.memory_space<vmem>>)
      "tpu.region"() ({
        %run_scoped3A = tpu.sem_alloc : memref<!tpu.dma_semaphore, #tpu.memory_space<semaphore_mem>>
        %dma_start3A_27 = arith.constant 0 : i32
        %dma_start3A_28 = arith.constant 0 : i32
        %dma_start3A_29 = tpu.memref_slice %arg11[%dma_start3A_27, %dma_start3A_28] : memref<10016x16xf32, #tpu.memory_space<vmem_shared>> -> memref<10016x16xf32, #tpu.memory_space<vmem_shared>>
        tpu.enqueue_indirect_dma source(%arg9 : memref<128x16xf32, #tpu.memory_space<vmem>>) target(%dma_start3A_29 : memref<10016x16xf32, #tpu.memory_space<vmem_shared>>) offsets(%arg8 : memref<128xi32, #tpu.memory_space<vmem>>) semaphore(%run_scoped3A : memref<!tpu.dma_semaphore, #tpu.memory_space<semaphore_mem>>) {add = true}
        %dma_wait3A_30 = arith.constant 0 : i32
        %dma_wait3A_31 = arith.constant 0 : i32
        %dma_wait3A_32 = tpu.memref_slice %arg11[%dma_wait3A_30, %dma_wait3A_31] : memref<10016x16xf32, #tpu.memory_space<vmem_shared>> -> memref<10016x16xf32, #tpu.memory_space<vmem_shared>>
        tpu.wait_indirect_dma semaphore(%run_scoped3A : memref<!tpu.dma_semaphore, #tpu.memory_space<semaphore_mem>>) src(%arg9 : memref<128x16xf32, #tpu.memory_space<vmem>>) dst(%dma_wait3A_32 : memref<10016x16xf32, #tpu.memory_space<vmem_shared>>)
        tpu.yield
      }) : () -> ()
    }
    %scan3A_8 = arith.constant 157 : i32
    %barrier3A_9 = arith.constant 0 : index
    tpu.barrier barrier_id(%barrier3A_9)
    %eq3A_10 = arith.constant 0 : i32
    %eq3A_11 = arith.cmpi eq, %arg1, %eq3A_10 : i32
    %convert_element_type3A_12 = arith.extui %eq3A_11 : i1 to i32
    %cond3A_13 = arith.constant 0 : i32
    %cond3A_14 = arith.cmpi ne, %convert_element_type3A_12, %cond3A_13 : i32
    scf.if %cond3A_14 {
      "tpu.region"() ({
        %run_scoped3A = tpu.sem_alloc : memref<!tpu.dma_semaphore, #tpu.memory_space<semaphore_mem>>
        %dma_start3A = arith.constant 0 : i32
        %dma_start3A_15 = arith.constant 0 : i32
        %dma_start3A_16 = tpu.memref_slice %arg6[%arg0, %dma_start3A, %dma_start3A_15] : memref<2x10016x16xf32, #tpu.memory_space<hbm>> -> memref<1x10016x16xf32, #tpu.memory_space<hbm>>
        %dma_start3A_17 = tpu.memref_squeeze %dma_start3A_16 : memref<1x10016x16xf32, #tpu.memory_space<hbm>> -> memref<10016x16xf32, #tpu.memory_space<hbm>>
        tpu.enqueue_dma source(%arg11 : memref<10016x16xf32, #tpu.memory_space<vmem_shared>>) target(%dma_start3A_17 : memref<10016x16xf32, #tpu.memory_space<hbm>>) target_semaphore(%run_scoped3A : memref<!tpu.dma_semaphore, #tpu.memory_space<semaphore_mem>>)
        %dma_wait3A = arith.constant 0 : i32
        %dma_wait3A_18 = arith.constant 0 : i32
        %dma_wait3A_19 = tpu.memref_slice %arg6[%arg0, %dma_wait3A, %dma_wait3A_18] : memref<2x10016x16xf32, #tpu.memory_space<hbm>> -> memref<1x10016x16xf32, #tpu.memory_space<hbm>>
        %dma_wait3A_20 = tpu.memref_squeeze %dma_wait3A_19 : memref<1x10016x16xf32, #tpu.memory_space<hbm>> -> memref<10016x16xf32, #tpu.memory_space<hbm>>
        tpu.wait_dma2 semaphore(%run_scoped3A : memref<!tpu.dma_semaphore, #tpu.memory_space<semaphore_mem>>) src(%arg11 : memref<10016x16xf32, #tpu.memory_space<vmem_shared>>) dst(%dma_wait3A_20 : memref<10016x16xf32, #tpu.memory_space<hbm>>)
        tpu.yield
      }) : () -> ()
    } else {
    }
    return
  }
}

module attributes {stable_mosaic.version = 14 : i64} {
  func.func @_embed_body(%arg0: memref<10000x111xf32, #tpu.memory_space<vmem>>, %arg1: memref<111x32xf32, #tpu.memory_space<vmem>>, %arg2: memref<1x32xf32, #tpu.memory_space<vmem>>, %arg3: memref<10000x32xf32, #tpu.memory_space<vmem>>) attributes {dimension_semantics = [], scalar_prefetch = 0 : i64, scratch_operands = 0 : i64, tpu.core_type = #tpu.core_type<tc>} {
    %get3A = arith.constant 0 : index
    %get3A_0 = arith.constant 0 : index
    %get3A_1 = vector.load %arg0[%get3A, %get3A_0] : memref<10000x111xf32, #tpu.memory_space<vmem>>, vector<10000x111xf32>
    %get3A_2 = arith.constant 0 : index
    %get3A_3 = arith.constant 0 : index
    %get3A_4 = vector.load %arg1[%get3A_2, %get3A_3] : memref<111x32xf32, #tpu.memory_space<vmem>>, vector<111x32xf32>
    %dot_general3A = arith.constant dense<0.000000e+00> : vector<10000x32xf32>
    %dot_general3A_5 = tpu.matmul %get3A_1, %get3A_4, %dot_general3A {dimension_numbers = #tpu.dot_dimension_numbers<[1], [0], [0], [1], [0, 0, 1, 1], [], []>, transpose_lhs_hint = false} : vector<10000x111xf32>, vector<111x32xf32>, vector<10000x32xf32> -> vector<10000x32xf32>
    %get3A_6 = arith.constant 0 : index
    %get3A_7 = arith.constant 0 : index
    %get3A_8 = vector.load %arg2[%get3A_6, %get3A_7] : memref<1x32xf32, #tpu.memory_space<vmem>>, vector<1x32xf32>
    %add3A = vector.broadcast %get3A_8 : vector<1x32xf32> to vector<10000x32xf32>
    %add3A_9 = arith.addf %dot_general3A_5, %add3A : vector<10000x32xf32>
    %swap3A = arith.constant 0 : index
    %swap3A_10 = arith.constant 0 : index
    %swap3A_11 = vector.load %arg3[%swap3A, %swap3A_10] : memref<10000x32xf32, #tpu.memory_space<vmem>>, vector<10000x32xf32>
    tpu.vector_store %arg3[%swap3A, %swap3A_10], %add3A_9 {strides = array<i32>} : memref<10000x32xf32, #tpu.memory_space<vmem>>, vector<10000x32xf32>,
    return
  }
}

module attributes {stable_mosaic.version = 14 : i64} {
  func.func @_mid_body(%arg0: memref<10000x32xf32, #tpu.memory_space<vmem>>, %arg1: memref<2x10016x32xf32, #tpu.memory_space<vmem>>, %arg2: memref<2x10016x16xf32, #tpu.memory_space<vmem>>, %arg3: memref<32x16xf32, #tpu.memory_space<vmem>>, %arg4: memref<32x16xf32, #tpu.memory_space<vmem>>, %arg5: memref<1x16xf32, #tpu.memory_space<vmem>>, %arg6: memref<10000x16xf32, #tpu.memory_space<vmem>>, %arg7: memref<16x32xf32, #tpu.memory_space<vmem>>) attributes {dimension_semantics = [], scalar_prefetch = 0 : i64, scratch_operands = 0 : i64, tpu.core_type = #tpu.core_type<tc>} {
    %get3A = arith.constant 0 : index
    %get3A_0 = arith.constant 0 : index
    %get3A_1 = vector.load %arg0[%get3A, %get3A_0] : memref<10000x32xf32, #tpu.memory_space<vmem>>, vector<10000x32xf32>
    %get3A_2 = arith.constant 0 : index
    %get3A_3 = arith.constant 0 : index
    %get3A_4 = arith.constant 0 : index
    %get3A_5 = vector.load %arg1[%get3A_2, %get3A_3, %get3A_4] : memref<2x10016x32xf32, #tpu.memory_space<vmem>>, vector<1x10000x32xf32>
    %get3A_6 = vector.shape_cast %get3A_5 : vector<1x10000x32xf32> to vector<10000x32xf32>
    %get3A_7 = arith.constant 1 : index
    %get3A_8 = arith.constant 0 : index
    %get3A_9 = arith.constant 0 : index
    %get3A_10 = vector.load %arg1[%get3A_7, %get3A_8, %get3A_9] : memref<2x10016x32xf32, #tpu.memory_space<vmem>>, vector<1x10000x32xf32>
    %get3A_11 = vector.shape_cast %get3A_10 : vector<1x10000x32xf32> to vector<10000x32xf32>
    %add3A = arith.addf %get3A_6, %get3A_11 : vector<10000x32xf32>
    %get3A_12 = arith.constant 0 : index
    %get3A_13 = arith.constant 0 : index
    %get3A_14 = arith.constant 0 : index
    %get3A_15 = vector.load %arg2[%get3A_12, %get3A_13, %get3A_14] : memref<2x10016x16xf32, #tpu.memory_space<vmem>>, vector<1x10000x1xf32>
    %get3A_16 = vector.shape_cast %get3A_15 : vector<1x10000x1xf32> to vector<10000x1xf32>
    %get3A_17 = arith.constant 1 : index
    %get3A_18 = arith.constant 0 : index
    %get3A_19 = arith.constant 0 : index
    %get3A_20 = vector.load %arg2[%get3A_17, %get3A_18, %get3A_19] : memref<2x10016x16xf32, #tpu.memory_space<vmem>>, vector<1x10000x1xf32>
    %get3A_21 = vector.shape_cast %get3A_20 : vector<1x10000x1xf32> to vector<10000x1xf32>
    %add3A_22 = arith.addf %get3A_16, %get3A_21 : vector<10000x1xf32>
    %max3A = arith.constant 1.000000e+00 : f32
    %max3A_23 = vector.broadcast %max3A : f32 to vector<10000x1xf32>
    %max3A_24 = arith.maximumf %add3A_22, %max3A_23 : vector<10000x1xf32>
    %div3A = vector.broadcast %max3A_24 : vector<10000x1xf32> to vector<10000x32xf32>
    %div3A_25 = arith.divf %add3A, %div3A : vector<10000x32xf32>
    %get3A_26 = arith.constant 0 : index
    %get3A_27 = arith.constant 0 : index
    %get3A_28 = vector.load %arg3[%get3A_26, %get3A_27] : memref<32x16xf32, #tpu.memory_space<vmem>>, vector<32x16xf32>
    %dot_general3A = arith.constant dense<0.000000e+00> : vector<10000x16xf32>
    %dot_general3A_29 = tpu.matmul %get3A_1, %get3A_28, %dot_general3A {dimension_numbers = #tpu.dot_dimension_numbers<[1], [0], [0], [1], [0, 0, 1, 1], [], []>, transpose_lhs_hint = false} : vector<10000x32xf32>, vector<32x16xf32>, vector<10000x16xf32> -> vector<10000x16xf32>
    %get3A_30 = arith.constant 0 : index
    %get3A_31 = arith.constant 0 : index
    %get3A_32 = vector.load %arg4[%get3A_30, %get3A_31] : memref<32x16xf32, #tpu.memory_space<vmem>>, vector<32x16xf32>
    %dot_general3A_33 = arith.constant dense<0.000000e+00> : vector<10000x16xf32>
    %dot_general3A_34 = tpu.matmul %div3A_25, %get3A_32, %dot_general3A_33 {dimension_numbers = #tpu.dot_dimension_numbers<[1], [0], [0], [1], [0, 0, 1, 1], [], []>, transpose_lhs_hint = false} : vector<10000x32xf32>, vector<32x16xf32>, vector<10000x16xf32> -> vector<10000x16xf32>
    %add3A_35 = arith.addf %dot_general3A_29, %dot_general3A_34 : vector<10000x16xf32>
    %get3A_36 = arith.constant 0 : index
    %get3A_37 = arith.constant 0 : index
    %get3A_38 = vector.load %arg5[%get3A_36, %get3A_37] : memref<1x16xf32, #tpu.memory_space<vmem>>, vector<1x16xf32>
    %add3A_39 = vector.broadcast %get3A_38 : vector<1x16xf32> to vector<10000x16xf32>
    %add3A_40 = arith.addf %add3A_35, %add3A_39 : vector<10000x16xf32>
    %reduce_max3A = arith.constant dense<0xFF800000> : vector<10000xf32>
    %reduce_max3A_41 = vector.multi_reduction <maximumf>, %add3A_40, %reduce_max3A [1] : vector<10000x16xf32> to vector<10000xf32>
    %broadcast_in_dim3A = vector.shape_cast %reduce_max3A_41 : vector<10000xf32> to vector<10000x1xf32>
    %sub3A = vector.broadcast %broadcast_in_dim3A : vector<10000x1xf32> to vector<10000x16xf32>
    %sub3A_42 = arith.subf %add3A_40, %sub3A : vector<10000x16xf32>
    %exp3A = math.exp %sub3A_42 : vector<10000x16xf32>
    %reduce_sum3A = arith.constant dense<0.000000e+00> : vector<10000xf32>
    %reduce_sum3A_43 = vector.multi_reduction <add>, %exp3A, %reduce_sum3A [1] : vector<10000x16xf32> to vector<10000xf32>
    %broadcast_in_dim3A_44 = vector.shape_cast %reduce_sum3A_43 : vector<10000xf32> to vector<10000x1xf32>
    %div3A_45 = vector.broadcast %broadcast_in_dim3A_44 : vector<10000x1xf32> to vector<10000x16xf32>
    %div3A_46 = arith.divf %exp3A, %div3A_45 : vector<10000x16xf32>
    %swap3A = arith.constant 0 : index
    %swap3A_47 = arith.constant 0 : index
    %swap3A_48 = vector.load %arg6[%swap3A, %swap3A_47] : memref<10000x16xf32, #tpu.memory_space<vmem>>, vector<10000x16xf32>
    tpu.vector_store %arg6[%swap3A, %swap3A_47], %div3A_46 {strides = array<i32>} : memref<10000x16xf32, #tpu.memory_space<vmem>>, vector<10000x16xf32>,
    %dot_general3A_49 = arith.constant dense<0.000000e+00> : vector<16x32xf32>
    %dot_general3A_50 = tpu.matmul %div3A_46, %get3A_1, %dot_general3A_49 {dimension_numbers = #tpu.dot_dimension_numbers<[0], [0], [1], [1], [0, 1, 1, 1], [], []>, transpose_lhs_hint = false} : vector<10000x16xf32>, vector<10000x32xf32>, vector<16x32xf32> -> vector<16x32xf32>
    %swap3A_51 = arith.constant 0 : index
    %swap3A_52 = arith.constant 0 : index
    %swap3A_53 = vector.load %arg7[%swap3A_51, %swap3A_52] : memref<16x32xf32, #tpu.memory_space<vmem>>, vector<16x32xf32>
    tpu.vector_store %arg7[%swap3A_51, %swap3A_52], %dot_general3A_50 {strides = array<i32>} : memref<16x32xf32, #tpu.memory_space<vmem>>, vector<16x32xf32>,
    return
  }
}

module attributes {stable_mosaic.version = 14 : i64} {
  func.func @_final_body(%arg0: memref<2x10016x16xf32, #tpu.memory_space<vmem>>, %arg1: memref<10000x16xf32, #tpu.memory_space<vmem>>, %arg2: memref<16x32xf32, #tpu.memory_space<vmem>>, %arg3: memref<32x16xf32, #tpu.memory_space<vmem>>, %arg4: memref<32x16xf32, #tpu.memory_space<vmem>>, %arg5: memref<1x16xf32, #tpu.memory_space<vmem>>, %arg6: memref<32x200xf32, #tpu.memory_space<vmem>>, %arg7: memref<32x200xf32, #tpu.memory_space<vmem>>, %arg8: memref<1x200xf32, #tpu.memory_space<vmem>>, %arg9: memref<200x200xf32, #tpu.memory_space<vmem>>, %arg10: memref<200x200xf32, #tpu.memory_space<vmem>>, %arg11: memref<1x200xf32, #tpu.memory_space<vmem>>, %arg12: memref<16x200xf32, #tpu.memory_space<vmem>>, %arg13: memref<16x16xf32, #tpu.memory_space<vmem>>) attributes {dimension_semantics = [], scalar_prefetch = 0 : i64, scratch_operands = 0 : i64, tpu.core_type = #tpu.core_type<tc>} {
    %get3A = arith.constant 0 : index
    %get3A_0 = arith.constant 0 : index
    %get3A_1 = arith.constant 0 : index
    %get3A_2 = vector.load %arg0[%get3A, %get3A_0, %get3A_1] : memref<2x10016x16xf32, #tpu.memory_space<vmem>>, vector<1x10000x16xf32>
    %get3A_3 = vector.shape_cast %get3A_2 : vector<1x10000x16xf32> to vector<10000x16xf32>
    %get3A_4 = arith.constant 1 : index
    %get3A_5 = arith.constant 0 : index
    %get3A_6 = arith.constant 0 : index
    %get3A_7 = vector.load %arg0[%get3A_4, %get3A_5, %get3A_6] : memref<2x10016x16xf32, #tpu.memory_space<vmem>>, vector<1x10000x16xf32>
    %get3A_8 = vector.shape_cast %get3A_7 : vector<1x10000x16xf32> to vector<10000x16xf32>
    %add3A = arith.addf %get3A_3, %get3A_8 : vector<10000x16xf32>
    %get3A_9 = arith.constant 0 : index
    %get3A_10 = arith.constant 0 : index
    %get3A_11 = vector.load %arg1[%get3A_9, %get3A_10] : memref<10000x16xf32, #tpu.memory_space<vmem>>, vector<10000x16xf32>
    %dot_general3A = arith.constant dense<0.000000e+00> : vector<16x16xf32>
    %dot_general3A_12 = tpu.matmul %add3A, %get3A_11, %dot_general3A {dimension_numbers = #tpu.dot_dimension_numbers<[0], [0], [1], [1], [0, 1, 1, 1], [], []>, transpose_lhs_hint = false} : vector<10000x16xf32>, vector<10000x16xf32>, vector<16x16xf32> -> vector<16x16xf32>
    %get3A_13 = arith.constant 0 : index
    %get3A_14 = arith.constant 0 : index
    %get3A_15 = vector.load %arg2[%get3A_13, %get3A_14] : memref<16x32xf32, #tpu.memory_space<vmem>>, vector<16x32xf32>
    %reduce_sum3A = arith.constant dense<0.000000e+00> : vector<16xf32>
    %reduce_sum3A_16 = vector.multi_reduction <add>, %dot_general3A_12, %reduce_sum3A [1] : vector<16x16xf32> to vector<16xf32>
    %broadcast_in_dim3A = vector.shape_cast %reduce_sum3A_16 : vector<16xf32> to vector<16x1xf32>
    %max3A = arith.constant 9.99999997E-7 : f32
    %max3A_17 = vector.broadcast %max3A : f32 to vector<16x1xf32>
    %max3A_18 = arith.maximumf %broadcast_in_dim3A, %max3A_17 : vector<16x1xf32>
    %dot_general3A_19 = arith.constant dense<0.000000e+00> : vector<16x32xf32>
    %dot_general3A_20 = tpu.matmul %dot_general3A_12, %get3A_15, %dot_general3A_19 {dimension_numbers = #tpu.dot_dimension_numbers<[1], [0], [0], [1], [0, 0, 1, 1], [], []>, transpose_lhs_hint = false} : vector<16x16xf32>, vector<16x32xf32>, vector<16x32xf32> -> vector<16x32xf32>
    %div3A = vector.broadcast %max3A_18 : vector<16x1xf32> to vector<16x32xf32>
    %div3A_21 = arith.divf %dot_general3A_20, %div3A : vector<16x32xf32>
    %get3A_22 = arith.constant 0 : index
    %get3A_23 = arith.constant 0 : index
    %get3A_24 = vector.load %arg3[%get3A_22, %get3A_23] : memref<32x16xf32, #tpu.memory_space<vmem>>, vector<32x16xf32>
    %dot_general3A_25 = arith.constant dense<0.000000e+00> : vector<16x16xf32>
    %dot_general3A_26 = tpu.matmul %get3A_15, %get3A_24, %dot_general3A_25 {dimension_numbers = #tpu.dot_dimension_numbers<[1], [0], [0], [1], [0, 0, 1, 1], [], []>, transpose_lhs_hint = false} : vector<16x32xf32>, vector<32x16xf32>, vector<16x16xf32> -> vector<16x16xf32>
    %get3A_27 = arith.constant 0 : index
    %get3A_28 = arith.constant 0 : index
    %get3A_29 = vector.load %arg4[%get3A_27, %get3A_28] : memref<32x16xf32, #tpu.memory_space<vmem>>, vector<32x16xf32>
    %dot_general3A_30 = arith.constant dense<0.000000e+00> : vector<16x16xf32>
    %dot_general3A_31 = tpu.matmul %div3A_21, %get3A_29, %dot_general3A_30 {dimension_numbers = #tpu.dot_dimension_numbers<[1], [0], [0], [1], [0, 0, 1, 1], [], []>, transpose_lhs_hint = false} : vector<16x32xf32>, vector<32x16xf32>, vector<16x16xf32> -> vector<16x16xf32>
    %add3A_32 = arith.addf %dot_general3A_26, %dot_general3A_31 : vector<16x16xf32>
    %get3A_33 = arith.constant 0 : index
    %get3A_34 = arith.constant 0 : index
    %get3A_35 = vector.load %arg5[%get3A_33, %get3A_34] : memref<1x16xf32, #tpu.memory_space<vmem>>, vector<1x16xf32>
    %add3A_36 = vector.broadcast %get3A_35 : vector<1x16xf32> to vector<16x16xf32>
    %add3A_37 = arith.addf %add3A_32, %add3A_36 : vector<16x16xf32>
    %reduce_max3A = arith.constant dense<0xFF800000> : vector<16xf32>
    %reduce_max3A_38 = vector.multi_reduction <maximumf>, %add3A_37, %reduce_max3A [1] : vector<16x16xf32> to vector<16xf32>
    %broadcast_in_dim3A_39 = vector.shape_cast %reduce_max3A_38 : vector<16xf32> to vector<16x1xf32>
    %sub3A = vector.broadcast %broadcast_in_dim3A_39 : vector<16x1xf32> to vector<16x16xf32>
    %sub3A_40 = arith.subf %add3A_37, %sub3A : vector<16x16xf32>
    %exp3A = math.exp %sub3A_40 : vector<16x16xf32>
    %reduce_sum3A_41 = arith.constant dense<0.000000e+00> : vector<16xf32>
    %reduce_sum3A_42 = vector.multi_reduction <add>, %exp3A, %reduce_sum3A_41 [1] : vector<16x16xf32> to vector<16xf32>
    %broadcast_in_dim3A_43 = vector.shape_cast %reduce_sum3A_42 : vector<16xf32> to vector<16x1xf32>
    %div3A_44 = vector.broadcast %broadcast_in_dim3A_43 : vector<16x1xf32> to vector<16x16xf32>
    %div3A_45 = arith.divf %exp3A, %div3A_44 : vector<16x16xf32>
    %dot_general3A_46 = arith.constant dense<0.000000e+00> : vector<16x32xf32>
    %dot_general3A_47 = tpu.matmul %div3A_45, %get3A_15, %dot_general3A_46 {dimension_numbers = #tpu.dot_dimension_numbers<[0], [0], [1], [1], [0, 1, 1, 1], [], []>, transpose_lhs_hint = false} : vector<16x16xf32>, vector<16x32xf32>, vector<16x32xf32> -> vector<16x32xf32>
    %dot_general3A_48 = arith.constant dense<0.000000e+00> : vector<16x16xf32>
    %dot_general3A_49 = tpu.matmul %dot_general3A_12, %div3A_45, %dot_general3A_48 {dimension_numbers = #tpu.dot_dimension_numbers<[1], [0], [0], [1], [0, 0, 1, 1], [], []>, transpose_lhs_hint = false} : vector<16x16xf32>, vector<16x16xf32>, vector<16x16xf32> -> vector<16x16xf32>
    %dot_general3A_50 = arith.constant dense<0.000000e+00> : vector<16x16xf32>
    %dot_general3A_51 = tpu.matmul %div3A_45, %dot_general3A_49, %dot_general3A_50 {dimension_numbers = #tpu.dot_dimension_numbers<[0], [0], [1], [1], [0, 1, 1, 1], [], []>, transpose_lhs_hint = false} : vector<16x16xf32>, vector<16x16xf32>, vector<16x16xf32> -> vector<16x16xf32>
    %reduce_sum3A_52 = arith.constant dense<0.000000e+00> : vector<16xf32>
    %reduce_sum3A_53 = vector.multi_reduction <add>, %dot_general3A_51, %reduce_sum3A_52 [1] : vector<16x16xf32> to vector<16xf32>
    %broadcast_in_dim3A_54 = vector.shape_cast %reduce_sum3A_53 : vector<16xf32> to vector<16x1xf32>
    %max3A_55 = arith.constant 9.99999997E-7 : f32
    %max3A_56 = vector.broadcast %max3A_55 : f32 to vector<16x1xf32>
    %max3A_57 = arith.maximumf %broadcast_in_dim3A_54, %max3A_56 : vector<16x1xf32>
    %dot_general3A_58 = arith.constant dense<0.000000e+00> : vector<16x32xf32>
    %dot_general3A_59 = tpu.matmul %dot_general3A_51, %dot_general3A_47, %dot_general3A_58 {dimension_numbers = #tpu.dot_dimension_numbers<[1], [0], [0], [1], [0, 0, 1, 1], [], []>, transpose_lhs_hint = false} : vector<16x16xf32>, vector<16x32xf32>, vector<16x32xf32> -> vector<16x32xf32>
    %div3A_60 = vector.broadcast %max3A_57 : vector<16x1xf32> to vector<16x32xf32>
    %div3A_61 = arith.divf %dot_general3A_59, %div3A_60 : vector<16x32xf32>
    %get3A_62 = arith.constant 0 : index
    %get3A_63 = arith.constant 0 : index
    %get3A_64 = vector.load %arg6[%get3A_62, %get3A_63] : memref<32x200xf32, #tpu.memory_space<vmem>>, vector<32x200xf32>
    %dot_general3A_65 = arith.constant dense<0.000000e+00> : vector<16x200xf32>
    %dot_general3A_66 = tpu.matmul %dot_general3A_47, %get3A_64, %dot_general3A_65 {dimension_numbers = #tpu.dot_dimension_numbers<[1], [0], [0], [1], [0, 0, 1, 1], [], []>, transpose_lhs_hint = false} : vector<16x32xf32>, vector<32x200xf32>, vector<16x200xf32> -> vector<16x200xf32>
    %get3A_67 = arith.constant 0 : index
    %get3A_68 = arith.constant 0 : index
    %get3A_69 = vector.load %arg7[%get3A_67, %get3A_68] : memref<32x200xf32, #tpu.memory_space<vmem>>, vector<32x200xf32>
    %dot_general3A_70 = arith.constant dense<0.000000e+00> : vector<16x200xf32>
    %dot_general3A_71 = tpu.matmul %div3A_61, %get3A_69, %dot_general3A_70 {dimension_numbers = #tpu.dot_dimension_numbers<[1], [0], [0], [1], [0, 0, 1, 1], [], []>, transpose_lhs_hint = false} : vector<16x32xf32>, vector<32x200xf32>, vector<16x200xf32> -> vector<16x200xf32>
    %add3A_72 = arith.addf %dot_general3A_66, %dot_general3A_71 : vector<16x200xf32>
    %get3A_73 = arith.constant 0 : index
    %get3A_74 = arith.constant 0 : index
    %get3A_75 = vector.load %arg8[%get3A_73, %get3A_74] : memref<1x200xf32, #tpu.memory_space<vmem>>, vector<1x200xf32>
    %add3A_76 = vector.broadcast %get3A_75 : vector<1x200xf32> to vector<16x200xf32>
    %add3A_77 = arith.addf %add3A_72, %add3A_76 : vector<16x200xf32>
    %max3A_78 = arith.constant 0.000000e+00 : f32
    %max3A_79 = vector.broadcast %max3A_78 : f32 to vector<16x200xf32>
    %max3A_80 = arith.maximumf %add3A_77, %max3A_79 : vector<16x200xf32>
    %dot_general3A_81 = arith.constant dense<0.000000e+00> : vector<16x200xf32>
    %dot_general3A_82 = tpu.matmul %dot_general3A_51, %max3A_80, %dot_general3A_81 {dimension_numbers = #tpu.dot_dimension_numbers<[1], [0], [0], [1], [0, 0, 1, 1], [], []>, transpose_lhs_hint = false} : vector<16x16xf32>, vector<16x200xf32>, vector<16x200xf32> -> vector<16x200xf32>
    %div3A_83 = vector.broadcast %max3A_57 : vector<16x1xf32> to vector<16x200xf32>
    %div3A_84 = arith.divf %dot_general3A_82, %div3A_83 : vector<16x200xf32>
    %get3A_85 = arith.constant 0 : index
    %get3A_86 = arith.constant 0 : index
    %get3A_87 = vector.load %arg9[%get3A_85, %get3A_86] : memref<200x200xf32, #tpu.memory_space<vmem>>, vector<200x200xf32>
    %dot_general3A_88 = arith.constant dense<0.000000e+00> : vector<16x200xf32>
    %dot_general3A_89 = tpu.matmul %max3A_80, %get3A_87, %dot_general3A_88 {dimension_numbers = #tpu.dot_dimension_numbers<[1], [0], [0], [1], [0, 0, 1, 1], [], []>, transpose_lhs_hint = false} : vector<16x200xf32>, vector<200x200xf32>, vector<16x200xf32> -> vector<16x200xf32>
    %get3A_90 = arith.constant 0 : index
    %get3A_91 = arith.constant 0 : index
    %get3A_92 = vector.load %arg10[%get3A_90, %get3A_91] : memref<200x200xf32, #tpu.memory_space<vmem>>, vector<200x200xf32>
    %dot_general3A_93 = arith.constant dense<0.000000e+00> : vector<16x200xf32>
    %dot_general3A_94 = tpu.matmul %div3A_84, %get3A_92, %dot_general3A_93 {dimension_numbers = #tpu.dot_dimension_numbers<[1], [0], [0], [1], [0, 0, 1, 1], [], []>, transpose_lhs_hint = false} : vector<16x200xf32>, vector<200x200xf32>, vector<16x200xf32> -> vector<16x200xf32>
    %add3A_95 = arith.addf %dot_general3A_89, %dot_general3A_94 : vector<16x200xf32>
    %get3A_96 = arith.constant 0 : index
    %get3A_97 = arith.constant 0 : index
    %get3A_98 = vector.load %arg11[%get3A_96, %get3A_97] : memref<1x200xf32, #tpu.memory_space<vmem>>, vector<1x200xf32>
    %add3A_99 = vector.broadcast %get3A_98 : vector<1x200xf32> to vector<16x200xf32>
    %add3A_100 = arith.addf %add3A_95, %add3A_99 : vector<16x200xf32>
    %swap3A = arith.constant 0 : index
    %swap3A_101 = arith.constant 0 : index
    %swap3A_102 = vector.load %arg12[%swap3A, %swap3A_101] : memref<16x200xf32, #tpu.memory_space<vmem>>, vector<16x200xf32>
    tpu.vector_store %arg12[%swap3A, %swap3A_101], %add3A_100 {strides = array<i32>} : memref<16x200xf32, #tpu.memory_space<vmem>>, vector<16x200xf32>,
    %swap3A_103 = arith.constant 0 : index
    %swap3A_104 = arith.constant 0 : index
    %swap3A_105 = vector.load %arg13[%swap3A_103, %swap3A_104] : memref<16x16xf32, #tpu.memory_space<vmem>>, vector<16x16xf32>
    tpu.vector_store %arg13[%swap3A_103, %swap3A_104], %div3A_45 {strides = array<i32>} : memref<16x16xf32, #tpu.memory_space<vmem>>, vector<16x16xf32>,
    return
  }
}

</mosaic_0001>

<sc_bundles>
// kernel: kernel.10.cloned.1.call-start
scs
__scs_entry_jumppad:
0x0: {  	(pc) =	sbr.rel $0x88, $3  }
0x1: {  	(tag) =	ssettag $0x0;
	lr =	simm.s32 $0x1  }
0x2: {  	[smem:$0x3F91] =	sst lr;
	_ =	strace $0xD0000000  }
0x3: {  	_ = 	snop  }
0x4: {  	_ = 	snop  }
0x5: {  	_ = 	snop  }
0x6: {  	_ = 	snop  }
0x7: {  	_ = 	snop  }
__scs_overlays_trampoline_lowered:
0x8: {  	[smem:$0x3FA0] =	sst s0  }
0x9: {  	[smem:$0x3FA1] =	sst s1  }
0xa: {  	[smem:$0x3FA2] =	sst s2  }
0xb: {  	[smem:$0x3FA3] =	sst s3  }
0xc: {  	[smem:$0x3FA4] =	sst s4  }
0xd: {  	[smem:$0x3FA5] =	sst s5  }
0xe: {  	[smem:$0x3FA6] =	sst s6  }
0xf: {  	[smem:$0x3FA7] =	sst s7  }
0x10: {  	[smem:$0x3FA8] =	sst s8  }
0x11: {  	[smem:$0x3FA9] =	sst s9;
	s0 =	simm.s32 @!p0 $0x0  }
0x12: {  	s1 =	sld [smem:$0x3F8F];
	s0 =	simm.s32 @p0 $0x1  }
0x13: {  	[smem:$0x3FAA] =	sst s0;
	s0 =	simm.s32 @!p1 $0x0  }
0x14: {  	s2 =	sld [smem:$0x3F8E];
	s0 =	simm.s32 @p1 $0x1  }
0x15: {  	[smem:$0x3FAB] =	sst s0;
	s0 =	simm.s32 @!p2 $0x0  }
0x16: {  	s3 =	sld [smem:$0x3FDB];
	s0 =	simm.s32 @p2 $0x1  }
0x17: {  	s4 =	simm.s32 $0x1BF5;
	[smem:$0x3FAD] =	sst s0  }
0x18: {  	s0 =	sld [smem:$0x3F90];
	_ =	swait.ge [sflag:s4], $0x0  }
0x19: {  	s7 =	sld [smem:$0x3F91]  }
0x1a: {  	s8 =	sadd.s32 $0xFFFFE003, lr  }
0x1b: {  	s9 =	sadd.s32 $0xFFFFFEF7, lr;
	s5 =	simm.s32 $0xFFFFFFFF;
	p2 =	slt.u32 s8, $0xFFFFF086  }
0x1c: {  	p1 =	slt.u32 s9, $0xF7A;
	s5 =	simm.s32 @!p2 $0x0  }
0x1d: {  	s5 =	simm.s32 @p1 $0x1;
	p0 =	seq.s32 s7, s2  }
0x1e: {  	s7 =	smul.u32 @!p0 $0xF7A, s2;
	p2 =	seq.s32 @!p0 s5, $0x0  }
0x1f: {  	s9 =	smul.u32 $0xF7A, s1;
	s8 =	simm.s32 @!p0 $0x1BF5;
	p2 =	por !p2, p0  }
0x20: {  	[sflag:s8] =	ssyncset.s32 @!p0 $0xFFFFF086;
	s6 =	sadd.s32 @!p0 s3, s7;
	s7 =	simm.s32 @!p0 $0x108  }
0x21: {  	s3 =	sadd.s32 s3, s9;
	s6 =	sadd.s32 @!p0 $0x88, s6;
	s7 =	simm.s32 @p2 $0x1082  }
0x22: {  	[simem:s7], [sflag:s8] =	dma.local @!p0 [hbm:s6], $0xF7A  }
0x23: {  	s9 =	sor.u32 $0xD0000000, s2;
	s6 =	simm.s32 $0x108;
	_ =	swait.ge @!p0 [sflag:s8], $0x0  }
0x24: {  	s3 =	sadd.s32 $0x88, s3;
	s6 =	simm.s32 @!p1 $0x1082;
	[sflag:s4] =	ssyncset.s32 $0xFFFFF086  }
0x25: {  	[simem:s6], [sflag:s4] =	dma.local [hbm:s3], $0xF7A  }
0x26: {  	[smem:$0x3F91] =	sst s1;
	(tag) =	ssettag s2;
	_ =	strace s9  }
0x27: {  	s1 =	sld [smem:$0x3FA1]  }
0x28: {  	s2 =	sld [smem:$0x3FA2]  }
0x29: {  	s4 =	sld [smem:$0x3FA4]  }
0x2a: {  	p0 =	seq.s32 s5, $0x0;
	s5 =	sld [smem:$0x3FA5]  }
0x2b: {  	s6 =	sld [smem:$0x3FA6]  }
0x2c: {  	s7 =	sld [smem:$0x3FA7]  }
0x2d: {  	s3 =	simm.s32 $0x108;
	s8 =	sld [smem:$0x3FA8]  }
0x2e: {  	s3 =	simm.s32 @!p0 $0x1082;
	s9 =	sld [smem:$0x3FA9]  }
0x2f: {  	lr =	sadd.s32 s0, s3;
	s0 =	sld [smem:$0x3FA0]  }
0x30: {  	s3 =	sld [smem:$0x3FA3]  }
0x31: {  	[smem:$0x3FAC] =	sst s10  }
0x32: {  	s10 =	sld [smem:$0x3FAA];
	_ =	sdelay $0x3  }
0x33: {  	p0 =	seq.s32 s10, $0x1;
	s10 =	sld [smem:$0x3FAC];
	_ =	sdelay $0x3  }
0x34: {  	[smem:$0x3FAC] =	sst s10  }
0x35: {  	s10 =	sld [smem:$0x3FAB];
	_ =	sdelay $0x3  }
0x36: {  	p1 =	seq.s32 s10, $0x1;
	s10 =	sld [smem:$0x3FAC];
	_ =	sdelay $0x3  }
0x37: {  	[smem:$0x3FAC] =	sst s10  }
0x38: {  	s10 =	sld [smem:$0x3FAD]  }
0x39: {  	_ = 	snop;
	(pc) =	sbr.ind lr, $3  }
0x3a: {  	_ = 	snop  }
0x3b: {  	_ = 	snop  }
0x3c: {  	p2 =	seq.s32 s10, $0x1;
	s10 =	sld [smem:$0x3FAC]  }
0x3d: {  	_ =	shalt  }
0x3e: {  	_ =	shalt  }
0x3f: {  	_ =	shalt  }
0x40: {  	_ =	shalt  }
0x41: {  	_ =	shalt  }
0x42: {  	_ =	shalt  }
0x43: {  	_ =	shalt  }
0x44: {  	_ =	shalt  }
0x45: {  	_ =	shalt  }
0x46: {  	_ =	shalt  }
0x47: {  	_ =	shalt  }
0x48: {  	_ =	shalt  }
0x49: {  	_ =	shalt  }
0x4a: {  	_ =	shalt  }
0x4b: {  	_ =	shalt  }
0x4c: {  	_ =	shalt  }
0x4d: {  	_ =	shalt  }
0x4e: {  	_ =	shalt  }
0x4f: {  	_ =	shalt  }
0x50: {  	_ =	shalt  }
0x51: {  	_ =	shalt  }
0x52: {  	_ =	shalt  }
0x53: {  	_ =	shalt  }
0x54: {  	_ =	shalt  }
0x55: {  	_ =	shalt  }
0x56: {  	_ =	shalt  }
0x57: {  	_ =	shalt  }
0x58: {  	_ =	shalt  }
0x59: {  	_ =	shalt  }
0x5a: {  	_ =	shalt  }
0x5b: {  	_ =	shalt  }
0x5c: {  	_ =	shalt  }
0x5d: {  	_ =	shalt  }
0x5e: {  	_ =	shalt  }
0x5f: {  	_ =	shalt  }
0x60: {  	_ =	shalt  }
0x61: {  	_ =	shalt  }
0x62: {  	_ =	shalt  }
0x63: {  	_ =	shalt  }
0x64: {  	_ =	shalt  }
0x65: {  	_ =	shalt  }
0x66: {  	_ =	shalt  }
0x67: {  	_ =	shalt  }
0x68: {  	_ =	shalt  }
0x69: {  	_ =	shalt  }
0x6a: {  	_ =	shalt  }
0x6b: {  	_ =	shalt  }
0x6c: {  	_ =	shalt  }
0x6d: {  	_ =	shalt  }
0x6e: {  	_ =	shalt  }
0x6f: {  	_ =	shalt  }
0x70: {  	_ =	shalt  }
0x71: {  	_ =	shalt  }
0x72: {  	_ =	shalt  }
0x73: {  	_ =	shalt  }
0x74: {  	_ =	shalt  }
0x75: {  	_ =	shalt  }
0x76: {  	_ =	shalt  }
0x77: {  	_ =	shalt  }
0x78: {  	_ =	shalt  }
0x79: {  	_ =	shalt  }
0x7a: {  	_ =	shalt  }
0x7b: {  	_ =	shalt  }
0x7c: {  	_ =	shalt  }
0x7d: {  	_ =	shalt  }
0x7e: {  	_ =	shalt  }
0x7f: {  	_ =	shalt  }
0x80: {  	_ =	shalt  }
0x81: {  	_ =	shalt  }
0x82: {  	_ =	shalt  }
0x83: {  	_ =	shalt  }
0x84: {  	_ =	shalt  }
0x85: {  	_ =	shalt  }
0x86: {  	_ =	shalt  }
0x87: {  	_ =	shalt  }
.Lfunc_end0:
.L_simem_size_0:
called_computation.1_lowered:
.L_overlay_start_0:
0x88: {  	s2 =	sld [smem:$0x3FD9]  }
0x89: {  	s3 =	sld [smem:$0x3FFE];
	_ =	sdelay $0x1  }
0x8a: {  	s1 =	srdreg.scid  }
0x8b: {  	s0 =	sand.u32 $0x1, s1  }
0x8c: {  	s16 =	sshll.u32 s0, $0xA;
	s2 =	sadd.s32 s3, s2  }
0x8d: {  	s2 =	sadd.s32 s2, s16  }
0x8e: {  	[smem:$0x3FB8] =	sst s2  }
0x8f: {  	_ = 	snop  }
0x90: {  	(tm) =	ssettm $0x1  }
0x91: {  	s17 =	sld [smem:$0x3FFB];
	_ =	sdelay $0x3  }
0x92: {  	_ =	strace s17  }
0x93: {  	s2 =	sld [smem:$0x3FFC];
	_ =	sdelay $0x3  }
0x94: {  	_ =	strace s2  }
0x95: {  	s2 =	sld [smem:$0x3FFD];
	_ =	sdelay $0x3  }
0x96: {  	_ =	strace s2  }
0x97: {  	_ =	strace $0x8FFFFFFF  }
0x98: {  	s18 =	sld [smem:$0x3FDB];
	_ =	sdelay $0x1  }
0x99: {  	s19 =	simm.s32 $_scs_section_size  }
0x9a: {  	s4 =	simm.s32 $_size__tile_overlayer_lowered;
	s5 =	simm.s32 $_tile_overlayer_lowered  }
0x9b: {  	s22 =	simm.s32 $0x1BFF;
	s21 =	sshll.u32 s5, $0x1;
	s2 =	sadd.s32 s19, s18  }
0x9c: {  	s6 =	simm.s32 $0x0;
	s20 =	sshll.u32 s4, $0x1;
	s4 =	sadd.s32 s21, s2  }
0x9d: {  	[timem:s6], [sflag:s22] =	dma.local [hbm:s4], s20  }
0x9e: {  	_ =	swait.ge [sflag:s22], s20  }
0x9f: {  	s3 =	ssub.s32 $0x0, s20;
	[sflag:s22] =	ssyncset.done $0x0  }
0xa0: {  	[sflag:s22] =	ssyncadd.s32 s3;
	_ =	sdelay $0x1  }
0xa1: {  	s23 =	simm.s32 $0x1B8B  }
0xa2: {  	_ =	swait.ge [sflag:s23], $0x1  }
0xa3: {  	[sflag:s23] =	ssyncset.done $0x0  }
0xa4: {  	s25 =	simm.s32 $0x1B8E;
	s24 =	sld [smem:$0x3FFE];
	[sflag:s23] =	ssyncadd.s32 $0xFFFFFFFF  }
0xa5: {  	s26 =	simm.s32 $execute0_lowered;
	[smem:$0x3FD2] =	sst s25  }
0xa6: {  	s4 =	sshll.u32 s26, $0x1;
	_ =	strace $0x80000049;
	[dreg:$0x1] =	wrdreg $0xFFFFFFFF  }
0xa7: {  	s28 =	simm.s32 $_size_execute0_lowered;
	s2 =	sadd.s32 s2, s4;
	[dreg:$0x0] =	wrdreg $0x0  }
0xa8: {  	s4 =	sshll.u32 s28, $0x1;
	[dreg:$0x2] =	wrdreg s2  }
0xa9: {  	[dreg:$0x3] =	wrdreg s4  }
0xaa: {  	[dreg:$0x4] =	wrdreg $0xC0  }
0xab: {  	_ =	task [dreg:s6], $0x5FFFF  }
0xac: {  	[dreg:$0x1] =	wrdreg $0xFFFFFFFF  }
0xad: {  	[dreg:$0x0] =	wrdreg $0x60  }
0xae: {  	[dreg:$0x2] =	wrdreg s24  }
0xaf: {  	[dreg:$0x3] =	wrdreg $0x9000  }
0xb0: {  	[dreg:$0x4] =	wrdreg $0x9  }
0xb1: {  	_ =	task.clear_ibuf [dreg:s6], $0x5FFFF;
	_ =	strace $0x90000049  }
0xb2: {  	s29 =	simm.s32 $0x9;
	_ =	strace $0x8000004B  }
0xb3: {  	_ =	swait.ge [sflag:s29], $0x1  }
0xb4: {  	[sflag:s29] =	ssyncadd.s32 $0xFFFFFFFF  }
0xb5: {  	_ =	strace $0x9000004B  }
0xb6: {  	_ =	sfence  }
0xb7: {  	s30 =	sld [smem:$0x0];
	_ =	sdelay $0x2  }
0xb8: {  	s31 =	sshll.u32 s1, $0xD;
	s1 =	sshrl.u32 s1, $0x2  }
0xb9: {  	s3 =	sand.u32 $0x4000, s31;
	s1 =	sadd.s32 s1, s30  }
0xba: {  	s0 =	sor.u32 s3, s0;
	s1 =	sshll.u32 s1, $0x11  }
0xbb: {  	s0 =	sor.u32 s1, s0  }
0xbc: {  	s0 =	sadd.s32 $0x8F2B, s0  }
0xbd: {  	[sflag:s0] =	ssyncadd.remote.s32 $0x1  }
0xbe: {  	_ =	sfence.sel $0xFFFF  }
0xbf: {  	[dreg:$0x0] =	wrdreg $0xFFFFFFFF;
	(pc) =	sbr.abs _section_cstart, $3  }
0xc0: {  	[dreg:$0x1] =	wrdreg $0xFFFFFFFF  }
0xc1: {  	_ =	task.clear_ibuf [dreg:s6], $0x2FFFF;
	_ =	strace $0x9FFFFFFF  }
0xc2: {  	(tm) =	ssettm $0x7FFFFFFF  }
0xc3: {  	_ =	shalt  }
tec
execute0_lowered:
.L_overlay_start_1:
0x0: {  	(tag) =	ssettag $0x1  }
0x1: {  	s4 =	rddreg [dreg:$0x0]  }
0x2: {  	s1 =	rddreg [dreg:$0x1]  }
0x3: {  	s0 =	rddreg [dreg:$0x2]  }
0x4: {  	s3 =	srdreg.scid;
	s9 =	stileid.u32  }
0x5: {  	s2 =	simm.s32 $0x0;
	s11 =	simm.s32 $0x80;
	s12 =	simm.s32 $0x100  }
0x6: {  	s13 =	simm.s32 $0x1;
	s14 =	simm.s32 $0x0;
	s3 =	sand.u32 $0x1, s3  }
0x7: {  	s5 =	smul.u32 $0x9D00, s9;
	[smem:$0x7FF] =	sst s2;
	p0 =	sne.s32 s9, $0x0  }
0x8: {  	s6 =	smul.u32 $0x4E80, s3;
	_ =	strace $0x8000004A;
	s7 =	ssub.s32 $0x2, s3  }
0x9: {  	s29 =	smul.u32 $0x4E40, s3;
	s3 =	sadd.s32 $0x3A00, s4;
	s8 =	sshrl.u32 s7, $0x1  }
0xa: {  	s9 =	sshrl.u32 @!p0 s1, $0x3;
	s5 =	sadd.s32 s6, s5;
	s31 =	ssub.s32 s7, s8  }
0xb: {  	s30 =	sadd.s32 s29, s4;
	s5 =	sshrl.u32 s5, $0x3;
	s6 =	smax.u32 s31, $0x1  }
0xc: {  	s10 =	sadd.s32 s5, s4;
	s4 =	sadd.s32 $0x34C00, s4;
	s5 =	sadd.s32 $0x39C00, s30  }
0xd: {  	s7 =	sadd.s32 $0xD800, s10;
	s8 =	sadd.s32 $0x21200, s10;
	s10 =	simm.s32 $0x2  }
.LBB2_1:
0xe: {  	s15 =	simm.s32 @!p0 $0x1C02  }
0xf: {  	[spmem:s9], [sflag:s15] =	dma.local @!p0 [hbm:s4], $0x4E40  }
0x10: {  	s15 =	simm.s32 @!p0 $0x2  }
0x11: {  	_ =	swait.ge @!p0 [sflag:s15], $0x4E40  }
0x12: {  	[sflag:s15] =	ssyncset.done @!p0 $0x0  }
0x13: {  	[sflag:s15] =	ssyncadd.s32 @!p0 $0xFFFFB1C0  }
0x14: {  	s30 =	sadd.s32 $0x0, s8;
	[bflag:$0x0] =	sbarrier.arrive $0xFFFF  }
0x15: {  	[tilespmem:s2], [sflag:$0x2] =	stream.linear.gather [hbm4b:s30+s2], $0x80, $0x38;
	[tilespmem:$0x3020] =	vst v63  }
0x16: {  	_ =	swait.ge [sflag:s10], $0x80  }
0x17: {  	[sflag:s10] =	ssyncset.done $0x0  }
0x18: {  	s31 =	sadd.s32 $0x0, s7;
	[sflag:s10] =	ssyncadd.s32 $0xFFFFFF80  }
0x19: {  	[tilespmem:s11], [sflag:$0x2] =	stream.linear.gather [hbm4b:s31+s2], $0x80, $0x38;
	[tilespmem:$0x3020] =	vst v63  }
0x1a: {  	_ =	swait.ge [sflag:s10], $0x80  }
0x1b: {  	[sflag:s10] =	ssyncset.done $0x0  }
0x1c: {  	[sflag:s10] =	ssyncadd.s32 $0xFFFFFF80  }
0x1d: {  	[tilespmem:s12], [sflag:$0x1] =	stream.indirect.gather [hbm4b:s3+s11], $0x10, s2, s11, $0xb8;
	[tilespmem:$0x3020] =	vst v63  }
0x1e: {  	_ =	swait.ge [sflag:s13], $0x800  }
0x1f: {  	[sflag:s13] =	ssyncset.done $0x0  }
0x20: {  	[sflag:s13] =	ssyncadd.s32 $0xFFFFF800  }
0x21: {  	[spmem:s1] =	stream.indirect.scatter.add.f32 [tilespmem:s12], [sflag:$0x2], $0x10, s11, s11, $0xb8;
	[tilespmem:$0x3020] =	vst v63  }
0x22: {  	_ =	swait.ge [sflag:s10], $0x800  }
0x23: {  	s16 =	simm.s32 $0x20;
	s15 =	simm.s32 $0x10;
	[sflag:s10] =	ssyncset.done $0x0  }
.LBB2_2:
0x24: {  	s17 =	sadd.s32 s15, s8  }
0x25: {  	[sflag:s10] =	ssyncadd.s32 $0xFFFFF800;
	s18 =	smov.u32 s16;
	s19 =	sadd.s32 $0x10, s16  }
0x26: {  	[tilespmem:s2], [sflag:$0x2] =	stream.linear.gather [hbm4b:s17+s2], $0x80, $0x38;
	[tilespmem:$0x3020] =	vst v63  }
0x27: {  	p1 =	sne.s32 s16, $0x9C0;
	_ =	swait.ge [sflag:s10], $0x80  }
0x28: {  	[sflag:s10] =	ssyncset.done $0x0  }
0x29: {  	s16 =	sadd.s32 s15, s7;
	s15 =	smov.u32 s18;
	[sflag:s10] =	ssyncadd.s32 $0xFFFFFF80  }
0x2a: {  	[tilespmem:s11], [sflag:$0x2] =	stream.linear.gather [hbm4b:s16+s2], $0x80, $0x38;
	[tilespmem:$0x3020] =	vst v63  }
0x2b: {  	_ =	swait.ge [sflag:s10], $0x80  }
0x2c: {  	[sflag:s10] =	ssyncset.done $0x0  }
0x2d: {  	[sflag:s10] =	ssyncadd.s32 $0xFFFFFF80  }
0x2e: {  	[tilespmem:s12], [sflag:$0x1] =	stream.indirect.gather [hbm4b:s3+s11], $0x10, s2, s11, $0xb8;
	[tilespmem:$0x3020] =	vst v63  }
0x2f: {  	_ =	swait.ge [sflag:s13], $0x800  }
.Ltmp0:
0x30: {  	[sflag:s13] =	ssyncset.done $0x0;
	(pc) =	sbr.rel @p1 .LBB2_2-.Ltmp0, $4  }
0x31: {  	[sflag:s13] =	ssyncadd.s32 $0xFFFFF800  }
0x32: {  	[spmem:s1] =	stream.indirect.scatter.add.f32 [tilespmem:s12], [sflag:$0x2], $0x10, s11, s11, $0xb8;
	[tilespmem:$0x3020] =	vst v63  }
0x33: {  	_ =	swait.ge [sflag:s10], $0x800  }
0x34: {  	s16 =	smov.u32 s19;
	[sflag:s10] =	ssyncset.done $0x0  }
0x35: {  	s16 =	sadd.s32 s15, s8;
	[sflag:s10] =	ssyncadd.s32 $0xFFFFF800  }
0x36: {  	[tilespmem:s2], [sflag:$0x2] =	stream.linear.gather [hbm4b:s16+s2], $0x80, $0x38;
	[tilespmem:$0x3020] =	vst v63  }
0x37: {  	_ =	swait.ge [sflag:s10], $0x80  }
0x38: {  	[sflag:s10] =	ssyncset.done $0x0  }
0x39: {  	s31 =	sadd.s32 s15, s7;
	[sflag:s10] =	ssyncadd.s32 $0xFFFFFF80  }
0x3a: {  	[tilespmem:s11], [sflag:$0x2] =	stream.linear.gather [hbm4b:s31+s2], $0x80, $0x38;
	[tilespmem:$0x3020] =	vst v63  }
0x3b: {  	_ =	swait.ge [sflag:s10], $0x80  }
0x3c: {  	[sflag:s10] =	ssyncset.done $0x0  }
0x3d: {  	[sflag:s10] =	ssyncadd.s32 $0xFFFFFF80  }
0x3e: {  	[tilespmem:s12], [sflag:$0x1] =	stream.indirect.gather [hbm4b:s3+s11], $0x10, s2, s11, $0xb8;
	[tilespmem:$0x3020] =	vst v63  }
0x3f: {  	_ =	swait.ge [sflag:s13], $0x800  }
0x40: {  	[sflag:s13] =	ssyncset.done $0x0  }
0x41: {  	[sflag:s13] =	ssyncadd.s32 $0xFFFFF800  }
0x42: {  	[spmem:s1] =	stream.indirect.scatter.add.f32 [tilespmem:s12], [sflag:$0x2], $0x10, s11, s11, $0xb8;
	[tilespmem:$0x3020] =	vst v63  }
0x43: {  	_ =	swait.ge [sflag:s10], $0x800  }
0x44: {  	[sflag:s10] =	ssyncset.done $0x0  }
0x45: {  	s14 =	sadd.s32 $0x1, s14;
	[sflag:s10] =	ssyncadd.s32 $0xFFFFF800  }
0x46: {  	s15 =	simm.s32 @!p0 $0x1C02;
	p1 =	sne.s32 s14, s6;
	[bflag:$0x0] =	sbarrier.arrive $0xFFFF  }
0x47: {  	[hbm:s5], [sflag:s15] =	dma.local @!p0 [spmem:s9], $0x4E40  }
.Ltmp1:
0x48: {  	_ = 	snop;
	(pc) =	sbr.rel @p1 .LBB2_1-.Ltmp1, $4  }
0x49: {  	s15 =	simm.s32 @!p0 $0x2  }
0x4a: {  	_ =	swait.ge @!p0 [sflag:s15], $0x4E40  }
0x4b: {  	[sflag:s15] =	ssyncset.done @!p0 $0x0  }
0x4c: {  	[sflag:s15] =	ssyncadd.s32 @!p0 $0xFFFFB1C0  }
0x4d: {  	_ =	sfence.sel $0x180000  }
0x4e: {  	[bflag:$0x0] =	sbarrier.arrive $0xFFFF  }
0x4f: {  	_ =	strace $0x9000004A  }
0x50: {  	s0 =	sadd.s32 @!p0 $0x100000, s0;
	[bflag:$0x2] =	sbarrier.arrive $0xFFFF  }
0x51: {  	[sflag:s0] =	ssyncadd.tile.s32 @!p0 $0x1;
	_ =	shalt  }
.Lfunc_end2:
_tile_overlayer_lowered:
.L_overlay_start_2:
0x52: {  	(tag) =	ssettag $0x2  }
0x53: {  	s0 =	rddreg [dreg:$0x0];
	s2 =	stileid.u32  }
0x54: {  	s1 =	rddreg [dreg:$0x1];
	p0 =	sne.s32 s2, $0x0  }
0x55: {  	s3 =	rddreg [dreg:$0x2];
	[bflag:$0x3] =	sbarrier.arrive $0xFFFF;
	s2 =	simm.s32 @!p0 $0x1C02  }
0x56: {  	[timem:s3], [sflag:s2] =	dma.local @!p0 [hbm:s0], s1  }
0x57: {  	s0 =	simm.s32 @!p0 $0x2  }
0x58: {  	_ =	swait.ge @!p0 [sflag:s0], s1  }
0x59: {  	s1 =	ssub.s32 @!p0 $0x0, s1;
	[sflag:s0] =	ssyncset.done @!p0 $0x0  }
0x5a: {  	[sflag:s0] =	ssyncadd.s32 @!p0 s1  }
0x5b: {  	[bflag:$0x3] =	sbarrier.arrive $0xFFFF  }
0x5c: {  	_ =	shalt  }

// kernel: kernel.7.cloned.1.call-start
scs
__scs_entry_jumppad:
0x0: {  	(pc) =	sbr.rel $0x88, $3  }
0x1: {  	(tag) =	ssettag $0x0;
	lr =	simm.s32 $0x1  }
0x2: {  	[smem:$0x3F91] =	sst lr;
	_ =	strace $0xD0000000  }
0x3: {  	_ = 	snop  }
0x4: {  	_ = 	snop  }
0x5: {  	_ = 	snop  }
0x6: {  	_ = 	snop  }
0x7: {  	_ = 	snop  }
__scs_overlays_trampoline_lowered:
0x8: {  	[smem:$0x3FA0] =	sst s0  }
0x9: {  	[smem:$0x3FA1] =	sst s1  }
0xa: {  	[smem:$0x3FA2] =	sst s2  }
0xb: {  	[smem:$0x3FA3] =	sst s3  }
0xc: {  	[smem:$0x3FA4] =	sst s4  }
0xd: {  	[smem:$0x3FA5] =	sst s5  }
0xe: {  	[smem:$0x3FA6] =	sst s6  }
0xf: {  	[smem:$0x3FA7] =	sst s7  }
0x10: {  	[smem:$0x3FA8] =	sst s8  }
0x11: {  	[smem:$0x3FA9] =	sst s9;
	s0 =	simm.s32 @!p0 $0x0  }
0x12: {  	s1 =	sld [smem:$0x3F8F];
	s0 =	simm.s32 @p0 $0x1  }
0x13: {  	[smem:$0x3FAA] =	sst s0;
	s0 =	simm.s32 @!p1 $0x0  }
0x14: {  	s2 =	sld [smem:$0x3F8E];
	s0 =	simm.s32 @p1 $0x1  }
0x15: {  	[smem:$0x3FAB] =	sst s0;
	s0 =	simm.s32 @!p2 $0x0  }
0x16: {  	s3 =	sld [smem:$0x3FDB];
	s0 =	simm.s32 @p2 $0x1  }
0x17: {  	s4 =	simm.s32 $0x1BF5;
	[smem:$0x3FAD] =	sst s0  }
0x18: {  	s0 =	sld [smem:$0x3F90];
	_ =	swait.ge [sflag:s4], $0x0  }
0x19: {  	s7 =	sld [smem:$0x3F91]  }
0x1a: {  	s8 =	sadd.s32 $0xFFFFE003, lr  }
0x1b: {  	s9 =	sadd.s32 $0xFFFFFEF7, lr;
	s5 =	simm.s32 $0xFFFFFFFF;
	p2 =	slt.u32 s8, $0xFFFFF086  }
0x1c: {  	p1 =	slt.u32 s9, $0xF7A;
	s5 =	simm.s32 @!p2 $0x0  }
0x1d: {  	s5 =	simm.s32 @p1 $0x1;
	p0 =	seq.s32 s7, s2  }
0x1e: {  	s7 =	smul.u32 @!p0 $0xF7A, s2;
	p2 =	seq.s32 @!p0 s5, $0x0  }
0x1f: {  	s9 =	smul.u32 $0xF7A, s1;
	s8 =	simm.s32 @!p0 $0x1BF5;
	p2 =	por !p2, p0  }
0x20: {  	[sflag:s8] =	ssyncset.s32 @!p0 $0xFFFFF086;
	s6 =	sadd.s32 @!p0 s3, s7;
	s7 =	simm.s32 @!p0 $0x108  }
0x21: {  	s3 =	sadd.s32 s3, s9;
	s6 =	sadd.s32 @!p0 $0x88, s6;
	s7 =	simm.s32 @p2 $0x1082  }
0x22: {  	[simem:s7], [sflag:s8] =	dma.local @!p0 [hbm:s6], $0xF7A  }
0x23: {  	s9 =	sor.u32 $0xD0000000, s2;
	s6 =	simm.s32 $0x108;
	_ =	swait.ge @!p0 [sflag:s8], $0x0  }
0x24: {  	s3 =	sadd.s32 $0x88, s3;
	s6 =	simm.s32 @!p1 $0x1082;
	[sflag:s4] =	ssyncset.s32 $0xFFFFF086  }
0x25: {  	[simem:s6], [sflag:s4] =	dma.local [hbm:s3], $0xF7A  }
0x26: {  	[smem:$0x3F91] =	sst s1;
	(tag) =	ssettag s2;
	_ =	strace s9  }
0x27: {  	s1 =	sld [smem:$0x3FA1]  }
0x28: {  	s2 =	sld [smem:$0x3FA2]  }
0x29: {  	s4 =	sld [smem:$0x3FA4]  }
0x2a: {  	p0 =	seq.s32 s5, $0x0;
	s5 =	sld [smem:$0x3FA5]  }
0x2b: {  	s6 =	sld [smem:$0x3FA6]  }
0x2c: {  	s7 =	sld [smem:$0x3FA7]  }
0x2d: {  	s3 =	simm.s32 $0x108;
	s8 =	sld [smem:$0x3FA8]  }
0x2e: {  	s3 =	simm.s32 @!p0 $0x1082;
	s9 =	sld [smem:$0x3FA9]  }
0x2f: {  	lr =	sadd.s32 s0, s3;
	s0 =	sld [smem:$0x3FA0]  }
0x30: {  	s3 =	sld [smem:$0x3FA3]  }
0x31: {  	[smem:$0x3FAC] =	sst s10  }
0x32: {  	s10 =	sld [smem:$0x3FAA];
	_ =	sdelay $0x3  }
0x33: {  	p0 =	seq.s32 s10, $0x1;
	s10 =	sld [smem:$0x3FAC];
	_ =	sdelay $0x3  }
0x34: {  	[smem:$0x3FAC] =	sst s10  }
0x35: {  	s10 =	sld [smem:$0x3FAB];
	_ =	sdelay $0x3  }
0x36: {  	p1 =	seq.s32 s10, $0x1;
	s10 =	sld [smem:$0x3FAC];
	_ =	sdelay $0x3  }
0x37: {  	[smem:$0x3FAC] =	sst s10  }
0x38: {  	s10 =	sld [smem:$0x3FAD]  }
0x39: {  	_ = 	snop;
	(pc) =	sbr.ind lr, $3  }
0x3a: {  	_ = 	snop  }
0x3b: {  	_ = 	snop  }
0x3c: {  	p2 =	seq.s32 s10, $0x1;
	s10 =	sld [smem:$0x3FAC]  }
0x3d: {  	_ =	shalt  }
0x3e: {  	_ =	shalt  }
0x3f: {  	_ =	shalt  }
0x40: {  	_ =	shalt  }
0x41: {  	_ =	shalt  }
0x42: {  	_ =	shalt  }
0x43: {  	_ =	shalt  }
0x44: {  	_ =	shalt  }
0x45: {  	_ =	shalt  }
0x46: {  	_ =	shalt  }
0x47: {  	_ =	shalt  }
0x48: {  	_ =	shalt  }
0x49: {  	_ =	shalt  }
0x4a: {  	_ =	shalt  }
0x4b: {  	_ =	shalt  }
0x4c: {  	_ =	shalt  }
0x4d: {  	_ =	shalt  }
0x4e: {  	_ =	shalt  }
0x4f: {  	_ =	shalt  }
0x50: {  	_ =	shalt  }
0x51: {  	_ =	shalt  }
0x52: {  	_ =	shalt  }
0x53: {  	_ =	shalt  }
0x54: {  	_ =	shalt  }
0x55: {  	_ =	shalt  }
0x56: {  	_ =	shalt  }
0x57: {  	_ =	shalt  }
0x58: {  	_ =	shalt  }
0x59: {  	_ =	shalt  }
0x5a: {  	_ =	shalt  }
0x5b: {  	_ =	shalt  }
0x5c: {  	_ =	shalt  }
0x5d: {  	_ =	shalt  }
0x5e: {  	_ =	shalt  }
0x5f: {  	_ =	shalt  }
0x60: {  	_ =	shalt  }
0x61: {  	_ =	shalt  }
0x62: {  	_ =	shalt  }
0x63: {  	_ =	shalt  }
0x64: {  	_ =	shalt  }
0x65: {  	_ =	shalt  }
0x66: {  	_ =	shalt  }
0x67: {  	_ =	shalt  }
0x68: {  	_ =	shalt  }
0x69: {  	_ =	shalt  }
0x6a: {  	_ =	shalt  }
0x6b: {  	_ =	shalt  }
0x6c: {  	_ =	shalt  }
0x6d: {  	_ =	shalt  }
0x6e: {  	_ =	shalt  }
0x6f: {  	_ =	shalt  }
0x70: {  	_ =	shalt  }
0x71: {  	_ =	shalt  }
0x72: {  	_ =	shalt  }
0x73: {  	_ =	shalt  }
0x74: {  	_ =	shalt  }
0x75: {  	_ =	shalt  }
0x76: {  	_ =	shalt  }
0x77: {  	_ =	shalt  }
0x78: {  	_ =	shalt  }
0x79: {  	_ =	shalt  }
0x7a: {  	_ =	shalt  }
0x7b: {  	_ =	shalt  }
0x7c: {  	_ =	shalt  }
0x7d: {  	_ =	shalt  }
0x7e: {  	_ =	shalt  }
0x7f: {  	_ =	shalt  }
0x80: {  	_ =	shalt  }
0x81: {  	_ =	shalt  }
0x82: {  	_ =	shalt  }
0x83: {  	_ =	shalt  }
0x84: {  	_ =	shalt  }
0x85: {  	_ =	shalt  }
0x86: {  	_ =	shalt  }
0x87: {  	_ =	shalt  }
.Lfunc_end0:
.L_simem_size_0:
called_computation_lowered:
.L_overlay_start_0:
0x88: {  	s2 =	sld [smem:$0x3FD9]  }
0x89: {  	s3 =	sld [smem:$0x3FFE];
	_ =	sdelay $0x1  }
0x8a: {  	s1 =	srdreg.scid  }
0x8b: {  	s0 =	sand.u32 $0x1, s1  }
0x8c: {  	s14 =	sshll.u32 s0, $0xA;
	s2 =	sadd.s32 s3, s2  }
0x8d: {  	s2 =	sadd.s32 s2, s14  }
0x8e: {  	[smem:$0x3FB8] =	sst s2  }
0x8f: {  	_ = 	snop  }
0x90: {  	s2 =	sld [smem:$0x3FD0];
	_ =	sdelay $0x2  }
0x91: {  	s15 =	simm.s32 $0xA;
	s4 =	simm.s32 $0x10  }
0x92: {  	[smem:s4], [sflag:s15] =	dma.local [hbm:s2], $0x1  }
0x93: {  	_ =	swait.eq [sflag:s15], $0x1  }
0x94: {  	[sflag:s15] =	ssyncset.done $0x0  }
0x95: {  	[sflag:s15] =	ssyncadd.s32 $0xFFFFFFFF  }
0x96: {  	s16 =	sld [smem:$0x12];
	(tm) =	ssettm $0x1  }
0x97: {  	s17 =	sld [smem:$0x3FFB];
	_ =	sdelay $0x3  }
0x98: {  	_ =	strace s17  }
0x99: {  	s3 =	sld [smem:$0x3FFC];
	_ =	sdelay $0x3  }
0x9a: {  	_ =	strace s3  }
0x9b: {  	s3 =	sld [smem:$0x3FFD];
	_ =	sdelay $0x3  }
0x9c: {  	_ =	strace s3  }
0x9d: {  	_ =	strace $0x8FFFFFFF  }
0x9e: {  	s18 =	sld [smem:$0x3FDB];
	_ =	sdelay $0x1  }
0x9f: {  	s19 =	simm.s32 $_scs_section_size  }
0xa0: {  	s5 =	simm.s32 $_size__tile_overlayer_lowered;
	s6 =	simm.s32 $_tile_overlayer_lowered  }
0xa1: {  	s22 =	simm.s32 $0x1BFF;
	s21 =	sshll.u32 s6, $0x1;
	s3 =	sadd.s32 s19, s18  }
0xa2: {  	s7 =	simm.s32 $0x0;
	s20 =	sshll.u32 s5, $0x1;
	s5 =	sadd.s32 s21, s3  }
0xa3: {  	[timem:s7], [sflag:s22] =	dma.local [hbm:s5], s20  }
0xa4: {  	_ =	swait.ge [sflag:s22], s20  }
0xa5: {  	s4 =	ssub.s32 $0x0, s20;
	[sflag:s22] =	ssyncset.done $0x0  }
0xa6: {  	[sflag:s22] =	ssyncadd.s32 s4;
	_ =	sdelay $0x1  }
0xa7: {  	s23 =	simm.s32 $0x1B8B  }
0xa8: {  	_ =	swait.ge [sflag:s23], $0x1  }
0xa9: {  	[sflag:s23] =	ssyncset.done $0x0  }
0xaa: {  	s25 =	simm.s32 $0x1B8E;
	s24 =	sld [smem:$0x3FFE];
	[sflag:s23] =	ssyncadd.s32 $0xFFFFFFFF  }
0xab: {  	s26 =	simm.s32 $execute0_lowered;
	[smem:$0x3FD2] =	sst s25  }
0xac: {  	s5 =	sshll.u32 s26, $0x1;
	_ =	strace $0x80000046;
	[dreg:$0x1] =	wrdreg $0xFFFFFFFF  }
0xad: {  	s28 =	simm.s32 $_size_execute0_lowered;
	s3 =	sadd.s32 s3, s5;
	[dreg:$0x0] =	wrdreg $0x0  }
0xae: {  	s5 =	sshll.u32 s28, $0x1;
	[dreg:$0x2] =	wrdreg s3  }
0xaf: {  	[dreg:$0x3] =	wrdreg s5  }
0xb0: {  	[dreg:$0x4] =	wrdreg $0xC0  }
0xb1: {  	_ =	task [dreg:s7], $0x5FFFF  }
0xb2: {  	[dreg:$0x1] =	wrdreg $0xFFFFFFFF  }
0xb3: {  	[dreg:$0x0] =	wrdreg $0x60  }
0xb4: {  	[dreg:$0x2] =	wrdreg s24  }
0xb5: {  	[dreg:$0x3] =	wrdreg s16  }
0xb6: {  	[dreg:$0x4] =	wrdreg $0x19000  }
0xb7: {  	[dreg:$0x5] =	wrdreg $0x67400  }
0xb8: {  	[dreg:$0x6] =	wrdreg $0x9  }
0xb9: {  	_ =	task.clear_ibuf [dreg:s7], $0x7FFFF;
	_ =	strace $0x90000046  }
0xba: {  	s29 =	simm.s32 $0x9;
	_ =	strace $0x80000048  }
0xbb: {  	_ =	swait.ge [sflag:s29], $0x1  }
0xbc: {  	[sflag:s29] =	ssyncadd.s32 $0xFFFFFFFF  }
0xbd: {  	_ =	strace $0x90000048  }
0xbe: {  	_ =	sfence  }
0xbf: {  	s30 =	sld [smem:$0x0];
	_ =	sdelay $0x2  }
0xc0: {  	s31 =	sshll.u32 s1, $0xD;
	s1 =	sshrl.u32 s1, $0x2  }
0xc1: {  	s3 =	sand.u32 $0x4000, s31;
	s1 =	sadd.s32 s1, s30  }
0xc2: {  	s0 =	sor.u32 s3, s0;
	s1 =	sshll.u32 s1, $0x11  }
0xc3: {  	s0 =	sor.u32 s1, s0  }
0xc4: {  	s0 =	sadd.s32 $0x8F2B, s0  }
0xc5: {  	[sflag:s0] =	ssyncadd.remote.s32 $0x1  }
0xc6: {  	_ =	sfence.sel $0xFFFF  }
0xc7: {  	[dreg:$0x0] =	wrdreg $0xFFFFFFFF;
	(pc) =	sbr.abs _section_cstart, $3  }
0xc8: {  	[dreg:$0x1] =	wrdreg $0xFFFFFFFF  }
0xc9: {  	_ =	task.clear_ibuf [dreg:s7], $0x2FFFF;
	_ =	strace $0x9FFFFFFF  }
0xca: {  	(tm) =	ssettm $0x7FFFFFFF  }
0xcb: {  	_ =	shalt  }
tec
execute0_lowered:
.L_overlay_start_1:
0x0: {  	(tag) =	ssettag $0x1  }
0x1: {  	s8 =	rddreg [dreg:$0x0]  }
0x2: {  	s0 =	rddreg [dreg:$0x1]  }
0x3: {  	s1 =	srdreg.scid;
	s2 =	rddreg [dreg:$0x2]  }
0x4: {  	s12 =	stileid.u32;
	s3 =	rddreg [dreg:$0x3];
	s4 =	simm.s32 $0x0  }
0x5: {  	s15 =	simm.s32 $0x1100;
	s16 =	simm.s32 $0x2;
	s17 =	simm.s32 $0x80  }
0x6: {  	s18 =	simm.s32 $0x100;
	s9 =	sand.u32 $0x1, s1;
	s5 =	smul.u32 $0x9D00, s12  }
0x7: {  	s19 =	simm.s32 $0x1;
	s1 =	rddreg [dreg:$0x4];
	s6 =	smul.u32 $0x4E80, s9  }
0x8: {  	s20 =	simm.s32 $0x0;
	[smem:$0x7FF] =	sst s4;
	s10 =	smul.u32 $0x9C80, s9  }
0x9: {  	s7 =	sadd.s32 $0x34C00, s8;
	s11 =	smul.u32 $0x4E40, s9;
	s9 =	ssub.s32 $0x2, s9  }
0xa: {  	p0 =	sne.s32 s12, $0x0;
	_ =	strace $0x80000047;
	s31 =	sshrl.u32 s9, $0x1  }
0xb: {  	s5 =	sadd.s32 s6, s5;
	s10 =	sadd.s32 s10, s8;
	s11 =	sadd.s32 s11, s8  }
0xc: {  	s14 =	ssub.s32 s9, s31;
	s6 =	sshrl.u32 s5, $0x3;
	s5 =	sadd.s32 $0x3A00, s8  }
0xd: {  	s9 =	sadd.s32 $0x43A00, s11;
	s13 =	sadd.s32 s6, s8;
	s6 =	sadd.s32 $0x39C00, s8  }
0xe: {  	s8 =	sadd.s32 $0x4D800, s10;
	s10 =	smax.u32 s14, $0x1;
	s14 =	sshrl.u32 @!p0 s3, $0x3  }
0xf: {  	s11 =	sadd.s32 $0xD800, s13;
	s12 =	sadd.s32 $0x21200, s13;
	s13 =	sshrl.u32 @!p0 s2, $0x3  }
.LBB2_1:
0x10: {  	s21 =	simm.s32 @!p0 $0x1C02;
	s22 =	simm.s32 @!p0 $0x2  }
0x11: {  	[spmem:s13], [sflag:s21] =	dma.local @!p0 [hbm:s6], $0x9C80  }
0x12: {  	_ =	swait.ge @!p0 [sflag:s22], $0x9C80  }
0x13: {  	[sflag:s22] =	ssyncset.done @!p0 $0x0  }
0x14: {  	[sflag:s22] =	ssyncadd.s32 @!p0 $0xFFFF6380  }
0x15: {  	[spmem:s14], [sflag:s21] =	dma.local @!p0 [hbm:s7], $0x4E40  }
0x16: {  	_ =	swait.ge @!p0 [sflag:s22], $0x4E40  }
0x17: {  	[sflag:s22] =	ssyncset.done @!p0 $0x0  }
0x18: {  	[sflag:s22] =	ssyncadd.s32 @!p0 $0xFFFFB1C0  }
0x19: {  	[tilespmem:s15], [sflag:$0x2] =	stream.linear.gather [hbm4b:s0+s4], $0x800, $0x38;
	[tilespmem:$0x8E60] =	vst v63  }
0x1a: {  	_ =	swait.ge [sflag:s16], $0x800  }
0x1b: {  	[sflag:s16] =	ssyncset.done $0x0  }
0x1c: {  	[sflag:s16] =	ssyncadd.s32 $0xFFFFF800  }
0x1d: {  	s30 =	sadd.s32 $0x0, s12;
	[bflag:$0x0] =	sbarrier.arrive $0xFFFF  }
0x1e: {  	[tilespmem:s4], [sflag:$0x2] =	stream.linear.gather [hbm4b:s30+s4], $0x80, $0x38;
	[tilespmem:$0x8E60] =	vst v63  }
0x1f: {  	_ =	swait.ge [sflag:s16], $0x80  }
0x20: {  	[sflag:s16] =	ssyncset.done $0x0  }
0x21: {  	s31 =	sadd.s32 $0x0, s11;
	[sflag:s16] =	ssyncadd.s32 $0xFFFFFF80  }
0x22: {  	[tilespmem:s17], [sflag:$0x2] =	stream.linear.gather [hbm4b:s31+s4], $0x80, $0x38;
	[tilespmem:$0x8E60] =	vst v63  }
0x23: {  	_ =	swait.ge [sflag:s16], $0x80  }
0x24: {  	[sflag:s16] =	ssyncset.done $0x0  }
0x25: {  	[sflag:s16] =	ssyncadd.s32 $0xFFFFFF80  }
0x26: {  	[tilespmem:s18], [sflag:$0x1] =	stream.indirect.gather [hbm4b:s5+s17], $0x20, s4, s17, $0xb8;
	[tilespmem:$0x8E60] =	vst v63  }
0x27: {  	_ =	swait.ge [sflag:s19], $0x1000  }
0x28: {  	[sflag:s19] =	ssyncset.done $0x0  }
0x29: {  	[sflag:s19] =	ssyncadd.s32 $0xFFFFF000  }
0x2a: {  	[spmem:s2] =	stream.indirect.scatter.add.f32 [tilespmem:s18], [sflag:$0x2], $0x20, s17, s17, $0xb8;
	[tilespmem:$0x8E60] =	vst v63  }
0x2b: {  	_ =	swait.ge [sflag:s16], $0x1000  }
0x2c: {  	[sflag:s16] =	ssyncset.done $0x0  }
0x2d: {  	[sflag:s16] =	ssyncadd.s32 $0xFFFFF000  }
0x2e: {  	[spmem:s3] =	stream.indirect.scatter.add.f32 [tilespmem:s15], [sflag:$0x2], $0x10, s17, s17, $0xb8;
	[tilespmem:$0x8E60] =	vst v63  }
0x2f: {  	_ =	swait.ge [sflag:s16], $0x800  }
0x30: {  	s21 =	simm.s32 $0x10;
	s22 =	simm.s32 $0x20;
	[sflag:s16] =	ssyncset.done $0x0  }
.LBB2_2:
0x31: {  	s23 =	sadd.s32 s21, s12  }
0x32: {  	[sflag:s16] =	ssyncadd.s32 $0xFFFFF800;
	s24 =	smov.u32 s22;
	s25 =	sadd.s32 $0x10, s22  }
0x33: {  	[tilespmem:s4], [sflag:$0x2] =	stream.linear.gather [hbm4b:s23+s4], $0x80, $0x38;
	[tilespmem:$0x8E60] =	vst v63  }
0x34: {  	p1 =	sne.s32 s22, $0x9C0;
	_ =	swait.ge [sflag:s16], $0x80  }
0x35: {  	[sflag:s16] =	ssyncset.done $0x0  }
0x36: {  	s22 =	sadd.s32 s21, s11;
	s21 =	smov.u32 s24;
	[sflag:s16] =	ssyncadd.s32 $0xFFFFFF80  }
0x37: {  	[tilespmem:s17], [sflag:$0x2] =	stream.linear.gather [hbm4b:s22+s4], $0x80, $0x38;
	[tilespmem:$0x8E60] =	vst v63  }
0x38: {  	_ =	swait.ge [sflag:s16], $0x80  }
0x39: {  	[sflag:s16] =	ssyncset.done $0x0  }
0x3a: {  	[sflag:s16] =	ssyncadd.s32 $0xFFFFFF80  }
0x3b: {  	[tilespmem:s18], [sflag:$0x1] =	stream.indirect.gather [hbm4b:s5+s17], $0x20, s4, s17, $0xb8;
	[tilespmem:$0x8E60] =	vst v63  }
0x3c: {  	_ =	swait.ge [sflag:s19], $0x1000  }
0x3d: {  	[sflag:s19] =	ssyncset.done $0x0  }
0x3e: {  	[sflag:s19] =	ssyncadd.s32 $0xFFFFF000  }
0x3f: {  	[spmem:s2] =	stream.indirect.scatter.add.f32 [tilespmem:s18], [sflag:$0x2], $0x20, s17, s17, $0xb8;
	[tilespmem:$0x8E60] =	vst v63  }
0x40: {  	_ =	swait.ge [sflag:s16], $0x1000  }
.Ltmp0:
0x41: {  	[sflag:s16] =	ssyncset.done $0x0;
	(pc) =	sbr.rel @p1 .LBB2_2-.Ltmp0, $4  }
0x42: {  	[sflag:s16] =	ssyncadd.s32 $0xFFFFF000  }
0x43: {  	[spmem:s3] =	stream.indirect.scatter.add.f32 [tilespmem:s15], [sflag:$0x2], $0x10, s17, s17, $0xb8;
	[tilespmem:$0x8E60] =	vst v63  }
0x44: {  	_ =	swait.ge [sflag:s16], $0x800  }
0x45: {  	s22 =	smov.u32 s25;
	[sflag:s16] =	ssyncset.done $0x0  }
0x46: {  	s22 =	sadd.s32 s21, s12;
	[sflag:s16] =	ssyncadd.s32 $0xFFFFF800  }
0x47: {  	[tilespmem:s4], [sflag:$0x2] =	stream.linear.gather [hbm4b:s22+s4], $0x80, $0x38;
	[tilespmem:$0x8E60] =	vst v63  }
0x48: {  	_ =	swait.ge [sflag:s16], $0x80  }
0x49: {  	[sflag:s16] =	ssyncset.done $0x0  }
0x4a: {  	s31 =	sadd.s32 s21, s11;
	[sflag:s16] =	ssyncadd.s32 $0xFFFFFF80  }
0x4b: {  	[tilespmem:s17], [sflag:$0x2] =	stream.linear.gather [hbm4b:s31+s4], $0x80, $0x38;
	[tilespmem:$0x8E60] =	vst v63  }
0x4c: {  	_ =	swait.ge [sflag:s16], $0x80  }
0x4d: {  	[sflag:s16] =	ssyncset.done $0x0  }
0x4e: {  	[sflag:s16] =	ssyncadd.s32 $0xFFFFFF80  }
0x4f: {  	[tilespmem:s18], [sflag:$0x1] =	stream.indirect.gather [hbm4b:s5+s17], $0x20, s4, s17, $0xb8;
	[tilespmem:$0x8E60] =	vst v63  }
0x50: {  	_ =	swait.ge [sflag:s19], $0x1000  }
0x51: {  	[sflag:s19] =	ssyncset.done $0x0  }
0x52: {  	[sflag:s19] =	ssyncadd.s32 $0xFFFFF000  }
0x53: {  	[spmem:s2] =	stream.indirect.scatter.add.f32 [tilespmem:s18], [sflag:$0x2], $0x20, s17, s17, $0xb8;
	[tilespmem:$0x8E60] =	vst v63  }
0x54: {  	_ =	swait.ge [sflag:s16], $0x1000  }
0x55: {  	[sflag:s16] =	ssyncset.done $0x0  }
0x56: {  	[sflag:s16] =	ssyncadd.s32 $0xFFFFF000  }
0x57: {  	[spmem:s3] =	stream.indirect.scatter.add.f32 [tilespmem:s15], [sflag:$0x2], $0x10, s17, s17, $0xb8;
	[tilespmem:$0x8E60] =	vst v63  }
0x58: {  	_ =	swait.ge [sflag:s16], $0x800  }
0x59: {  	[sflag:s16] =	ssyncset.done $0x0  }
0x5a: {  	[sflag:s16] =	ssyncadd.s32 $0xFFFFF800  }
0x5b: {  	s21 =	simm.s32 @!p0 $0x1C02;
	s22 =	simm.s32 @!p0 $0x2;
	[bflag:$0x0] =	sbarrier.arrive $0xFFFF  }
0x5c: {  	[hbm:s8], [sflag:s21] =	dma.local @!p0 [spmem:s13], $0x9C80  }
0x5d: {  	s20 =	sadd.s32 $0x1, s20;
	_ =	swait.ge @!p0 [sflag:s22], $0x9C80  }
0x5e: {  	p1 =	sne.s32 s20, s10;
	[sflag:s22] =	ssyncset.done @!p0 $0x0  }
.Ltmp1:
0x5f: {  	[sflag:s22] =	ssyncadd.s32 @!p0 $0xFFFF6380;
	(pc) =	sbr.rel @p1 .LBB2_1-.Ltmp1, $4  }
0x60: {  	[hbm:s9], [sflag:s21] =	dma.local @!p0 [spmem:s14], $0x4E40  }
0x61: {  	_ =	swait.ge @!p0 [sflag:s22], $0x4E40  }
0x62: {  	[sflag:s22] =	ssyncset.done @!p0 $0x0  }
0x63: {  	[sflag:s22] =	ssyncadd.s32 @!p0 $0xFFFFB1C0  }
0x64: {  	_ =	sfence.sel $0x180000  }
0x65: {  	[bflag:$0x0] =	sbarrier.arrive $0xFFFF  }
0x66: {  	_ =	strace $0x90000047  }
0x67: {  	s0 =	sadd.s32 @!p0 $0x100000, s1;
	[bflag:$0x2] =	sbarrier.arrive $0xFFFF  }
0x68: {  	[sflag:s0] =	ssyncadd.tile.s32 @!p0 $0x1;
	_ =	shalt  }
.Lfunc_end2:
_tile_overlayer_lowered:
.L_overlay_start_2:
0x69: {  	(tag) =	ssettag $0x2  }
0x6a: {  	s0 =	rddreg [dreg:$0x0];
	s2 =	stileid.u32  }
0x6b: {  	s1 =	rddreg [dreg:$0x1];
	p0 =	sne.s32 s2, $0x0  }
0x6c: {  	s3 =	rddreg [dreg:$0x2];
	[bflag:$0x3] =	sbarrier.arrive $0xFFFF;
	s2 =	simm.s32 @!p0 $0x1C02  }
0x6d: {  	[timem:s3], [sflag:s2] =	dma.local @!p0 [hbm:s0], s1  }
0x6e: {  	s0 =	simm.s32 @!p0 $0x2  }
0x6f: {  	_ =	swait.ge @!p0 [sflag:s0], s1  }
0x70: {  	s1 =	ssub.s32 @!p0 $0x0, s1;
	[sflag:s0] =	ssyncset.done @!p0 $0x0  }
0x71: {  	[sflag:s0] =	ssyncadd.s32 @!p0 s1  }
0x72: {  	[bflag:$0x3] =	sbarrier.arrive $0xFFFF  }
0x73: {  	_ =	shalt  }

</sc_bundles>
